<compile_context>
chip_gen: v7x
topology: tpu7x:2x2x1
jax: 0.10.2.dev20260603
libtpu: 0.0.44.dev20260713+nightly
codegen_flags: <defaults>
</compile_context>

<pallas_src>
import jax
import jax.numpy as jnp
from jax import lax
from jax.experimental import pallas as pl
from jax.experimental.pallas import tpu as pltpu
from jax.experimental.pallas import tpu_sc as plsc

N_NODES = 10000
N_EDGES = 320000
D = 128
NUM_REL = 2

NP = 10240
NT = 16
EPT = N_EDGES // NT
RC = 2000
NVR = RC // 16
C = 112
NCH = (RC + C) // C
ROWS_PER_TILE = NP // NT


NRW = EPT // RC


def _sc_body(with_cnt, refs):
  if with_cnt:
    (x_hbm, src_hbm, dst_hbm, typ_hbm, agg_hbm, cnt_hbm,
     src_c, dst_c2, raw_s, raw_d, raw_t, rows_a, rows_b, ones_b,
     zrows, zflat, acc_sh, cnt_sh, sem, semb, rsem) = refs
  else:
    (x_hbm, src_hbm, dst_hbm, typ_hbm, agg_hbm,
     src_c, dst_c2, raw_s, raw_d, raw_t, rows_a, rows_b,
     zrows, acc_sh, sem, semb, rsem) = refs
  core = lax.axis_index("c")
  sub = lax.axis_index("s")

  zero16 = jnp.zeros((16,), jnp.float32)
  one16 = jnp.ones((16,), jnp.float32)
  iota16 = lax.iota(jnp.int32, 16)

  ebase = sub * EPT
  pltpu.async_copy(src_hbm.at[pl.ds(ebase, RC)], raw_s.at[pl.ds(0, RC)], rsem)
  pltpu.async_copy(dst_hbm.at[pl.ds(ebase, RC)], raw_d.at[pl.ds(0, RC)], rsem)
  pltpu.async_copy(typ_hbm.at[pl.ds(ebase, RC)], raw_t.at[pl.ds(0, RC)], rsem)

  def fill_zrows(i, _):
    r = i // 8
    l = i - r * 8
    zrows[r, pl.ds(l * 16, 16)] = zero16
    return 0
  lax.fori_loop(0, 8 * 8, fill_zrows, 0)

  if with_cnt:
    def fill_zflat(i, _):
      zflat[pl.ds(i * 16, 16)] = zero16
      return 0
    lax.fori_loop(0, 160 // 16, fill_zflat, 0)

    def fill_ones(i, _):
      ones_b[pl.ds(i * 16, 16)] = one16
      return 0
    lax.fori_loop(0, C // 16, fill_ones, 0)

  row0 = sub * ROWS_PER_TILE

  def zero_acc(k, _):
    pltpu.sync_copy(zrows, acc_sh.at[pl.ds(row0 + k * 8, 8), :])
    return 0
  lax.fori_loop(0, ROWS_PER_TILE // 8, zero_acc, 0)
  if with_cnt:
    for j in range(ROWS_PER_TILE // 160):
      pltpu.sync_copy(zflat, cnt_sh.at[pl.ds(row0 + j * 160, 160)])

  plsc.subcore_barrier()

  dumpv = N_NODES + iota16

  def raw_chunk(k, _):
    b = lax.bitwise_and(k, 1) * RC
    pltpu.make_async_copy(src_hbm.at[pl.ds(ebase, RC)],
                          raw_s.at[pl.ds(b, RC)], rsem).wait()
    pltpu.make_async_copy(dst_hbm.at[pl.ds(ebase, RC)],
                          raw_d.at[pl.ds(b, RC)], rsem).wait()
    pltpu.make_async_copy(typ_hbm.at[pl.ds(ebase, RC)],
                          raw_t.at[pl.ds(b, RC)], rsem).wait()

    @pl.when(k + 1 < NRW)
    def _():
      noff = ebase + (k + 1) * RC
      nb = RC - b
      pltpu.async_copy(src_hbm.at[pl.ds(noff, RC)],
                       raw_s.at[pl.ds(nb, RC)], rsem)
      pltpu.async_copy(dst_hbm.at[pl.ds(noff, RC)],
                       raw_d.at[pl.ds(nb, RC)], rsem)
      pltpu.async_copy(typ_hbm.at[pl.ds(noff, RC)],
                       raw_t.at[pl.ds(nb, RC)], rsem)

    def vreg_step(j, nc):
      sv = raw_s[pl.ds(b + j * 16, 16)]
      dv = raw_d[pl.ds(b + j * 16, 16)]
      tv = raw_t[pl.ds(b + j * 16, 16)]
      m = tv == core
      mi = jnp.where(m, 1, 0)
      pos = plsc.cumsum(mi)
      idx = nc + pos - 1
      plsc.store_scatter(src_c, [idx], sv, mask=m)
      plsc.store_scatter(dst_c2, [idx // C, idx % C], dv, mask=m)
      return nc + jnp.sum(mi)

    nc = lax.fori_loop(0, NVR, vreg_step, jnp.int32(0))

    for j in range(C // 16):
      p = nc + j * 16 + iota16
      plsc.store_scatter(src_c, [p], iota16 + j * 16)
      plsc.store_scatter(dst_c2, [p // C, p % C], dumpv)
    nchunks = (nc + (C - 1)) // C

    @pl.when(nchunks > 0)
    def _():
      pltpu.async_copy(x_hbm.at[src_c.at[pl.ds(0, C)]], rows_a, sem)

    @pl.when(nchunks > 1)
    def _():
      pltpu.async_copy(x_hbm.at[src_c.at[pl.ds(C, C)]], rows_b, semb)

    def edge_pair(i, _):
      i0 = 2 * i
      pltpu.make_async_copy(x_hbm.at[src_c.at[pl.ds(0, C)]],
                            rows_a, sem).wait()
      pltpu.sync_copy(rows_a, acc_sh.at[dst_c2.at[i0]], add=True)
      if with_cnt:
        pltpu.sync_copy(ones_b, cnt_sh.at[dst_c2.at[i0]], add=True)

      @pl.when(i0 + 2 < nchunks)
      def _():
        pltpu.async_copy(x_hbm.at[src_c.at[pl.ds((i0 + 2) * C, C)]],
                         rows_a, sem)

      @pl.when(i0 + 1 < nchunks)
      def _():
        pltpu.make_async_copy(x_hbm.at[src_c.at[pl.ds(0, C)]],
                              rows_b, semb).wait()
        pltpu.sync_copy(rows_b, acc_sh.at[dst_c2.at[i0 + 1]], add=True)
        if with_cnt:
          pltpu.sync_copy(ones_b, cnt_sh.at[dst_c2.at[i0 + 1]], add=True)

      @pl.when(i0 + 3 < nchunks)
      def _():
        pltpu.async_copy(x_hbm.at[src_c.at[pl.ds((i0 + 3) * C, C)]],
                         rows_b, semb)
      return 0

    lax.fori_loop(0, (nchunks + 1) // 2, edge_pair, 0)
    return 0

  lax.fori_loop(0, NRW, raw_chunk, 0)

  plsc.subcore_barrier()

  pltpu.sync_copy(acc_sh.at[pl.ds(row0, ROWS_PER_TILE), :],
                  agg_hbm.at[core, pl.ds(row0, ROWS_PER_TILE), :])
  if with_cnt:
    pltpu.sync_copy(cnt_sh.at[pl.ds(row0, ROWS_PER_TILE)],
                    cnt_hbm.at[core, pl.ds(row0, ROWS_PER_TILE)])


def _sc_call(with_cnt):
  mesh = plsc.VectorSubcoreMesh(core_axis_name="c", subcore_axis_name="s")
  out_type = [jax.ShapeDtypeStruct((NUM_REL, NP, D), jnp.float32)]
  scratch = [
      pltpu.VMEM((RC + C,), jnp.int32),
      pltpu.VMEM((NCH + 1, C), jnp.int32),
      pltpu.VMEM((2 * RC,), jnp.int32),
      pltpu.VMEM((2 * RC,), jnp.int32),
      pltpu.VMEM((2 * RC,), jnp.int32),
      pltpu.VMEM((C, D), jnp.float32),
      pltpu.VMEM((C, D), jnp.float32),
  ]
  if with_cnt:
    out_type.append(jax.ShapeDtypeStruct((NUM_REL, NP), jnp.float32))
    scratch.append(pltpu.VMEM((C,), jnp.float32))
  scratch.append(pltpu.VMEM((8, D), jnp.float32))
  if with_cnt:
    scratch.append(pltpu.VMEM((160,), jnp.float32))
  scratch.append(pltpu.VMEM_SHARED((NP, D), jnp.float32))
  if with_cnt:
    scratch.append(pltpu.VMEM_SHARED((NP,), jnp.float32))
  scratch.append(pltpu.SemaphoreType.DMA)
  scratch.append(pltpu.SemaphoreType.DMA)
  scratch.append(pltpu.SemaphoreType.DMA)

  def body(*refs):
    _sc_body(with_cnt, refs)

  return pl.kernel(
      body,
      out_type=out_type,
      mesh=mesh,
      compiler_params=pltpu.CompilerParams(needs_layout_passes=False),
      scratch_types=scratch,
  )


@jax.jit
def _sc_aggregate_cnt(x, src, dst, typ):
  return _sc_call(True)(x, src, dst, typ)


@jax.jit
def _sc_aggregate_nocnt(x, src, dst, typ):
  return _sc_call(False)(x, src, dst, typ)


BR = 1000
NB = N_NODES // BR


def _layer_math(x_ref, a0_ref, a1_ref, c0_ref, c1_ref, root_ref, w0_ref,
                w1_ref, b_ref):
  inv0 = 1.0 / jnp.maximum(c0_ref[...], 1.0)
  inv1 = 1.0 / jnp.maximum(c1_ref[...], 1.0)
  h = jnp.dot(x_ref[...], root_ref[...], preferred_element_type=jnp.float32)
  h = h + jnp.dot(a0_ref[...] * inv0, w0_ref[...],
                  preferred_element_type=jnp.float32)
  h = h + jnp.dot(a1_ref[...] * inv1, w1_ref[...],
                  preferred_element_type=jnp.float32)
  return jnp.maximum(h + b_ref[...], 0.0)


def _l1_body(x_ref, a0_ref, a1_ref, c0_ref, c1_ref, root_ref, w0_ref, w1_ref,
             b_ref, o_ref):
  o_ref[...] = _layer_math(x_ref, a0_ref, a1_ref, c0_ref, c1_ref, root_ref,
                           w0_ref, w1_ref, b_ref)


def _l2_body(x_ref, a0_ref, a1_ref, c0_ref, c1_ref, root_ref, w0_ref, w1_ref,
             b_ref, wl_ref, bl_ref, o_ref, acc_ref):
  h = _layer_math(x_ref, a0_ref, a1_ref, c0_ref, c1_ref, root_ref, w0_ref,
                  w1_ref, b_ref)
  part = jnp.sum(h, axis=0, keepdims=True)
  i = pl.program_id(0)

  @pl.when(i == 0)
  def _():
    acc_ref[...] = jnp.zeros_like(acc_ref)

  acc_ref[...] += part

  @pl.when(i == NB - 1)
  def _():
    g = acc_ref[...] * (1.0 / N_NODES)
    o_ref[...] = (jnp.sum(g * wl_ref[...], axis=1, keepdims=True)
                  + bl_ref[...])


def _row_block_specs():
  row = pl.BlockSpec((BR, D), lambda i: (i, 0))
  col = pl.BlockSpec((BR, 1), lambda i: (i, 0))
  mat = pl.BlockSpec((D, D), lambda i: (0, 0))
  vec = pl.BlockSpec((1, D), lambda i: (0, 0))
  return row, col, mat, vec


@jax.jit
def _tc_layer1(x, a0, a1, c0, c1, root, w0, w1, b):
  row, col, mat, vec = _row_block_specs()
  return pl.pallas_call(
      _l1_body,
      grid=(NB,),
      in_specs=[row, row, row, col, col, mat, mat, mat, vec],
      out_specs=row,
      out_shape=jax.ShapeDtypeStruct((N_NODES, D), jnp.float32),
  )(x, a0, a1, c0, c1, root, w0, w1, b)


@jax.jit
def _tc_layer2(x, a0, a1, c0, c1, root, w0, w1, b, wlr, bl):
  row, col, mat, vec = _row_block_specs()
  one = pl.BlockSpec((1, 1), lambda i: (0, 0))
  return pl.pallas_call(
      _l2_body,
      grid=(NB,),
      in_specs=[row, row, row, col, col, mat, mat, mat, vec, vec, one],
      out_specs=one,
      out_shape=jax.ShapeDtypeStruct((1, 1), jnp.float32),
      scratch_shapes=[pltpu.VMEM((1, D), jnp.float32)],
  )(x, a0, a1, c0, c1, root, w0, w1, b, wlr, bl)


def kernel(x, edge_index, edge_type, w1, root1, b1, w2, root2, b2, wl, bl):
  src = edge_index[0].astype(jnp.int32)
  dst = edge_index[1].astype(jnp.int32)
  typ = edge_type.astype(jnp.int32)

  agg1, cnt = _sc_aggregate_cnt(x, src, dst, typ)
  c0 = cnt[0, :N_NODES].reshape(N_NODES, 1)
  c1 = cnt[1, :N_NODES].reshape(N_NODES, 1)
  h1 = _tc_layer1(x, agg1[0, :N_NODES], agg1[1, :N_NODES], c0, c1,
                  root1, w1[0], w1[1], b1.reshape(1, D))

  agg2, = _sc_aggregate_nocnt(h1, src, dst, typ)
  return _tc_layer2(h1, agg2[0, :N_NODES], agg2[1, :N_NODES], c0, c1,
                    root2, w2[0], w2[1], b2.reshape(1, D),
                    wl.reshape(1, D), bl.reshape(1, 1))

# --- scband reference (transcript-rebuilt; emitter-appended) ---
"""Pipeline reference for scband-simple-gnn-2611340116653 (READ-ONLY COPY).

The authoritative reference and input builder live on the scoring server;
editing this copy changes nothing except your own understanding.
"""

import jax, jax.numpy as jnp
import numpy as np

N_NODES = 10000
N_EDGES = 320000
D = 128
NUM_REL = 2


def setup_inputs(seed: int = 0) -> dict:
    key = jax.random.key(seed)
    ks = jax.random.split(key, 12)
    scale = 1.0 / np.sqrt(D)
    x = jax.random.normal(ks[0], (N_NODES, D), dtype=jnp.float32)
    edge_index = jax.random.randint(ks[1], (2, N_EDGES), 0, N_NODES, dtype=jnp.int64)
    edge_type = jax.random.randint(ks[2], (N_EDGES,), 0, NUM_REL, dtype=jnp.int64)
    w1 = jax.random.normal(ks[3], (NUM_REL, D, D), dtype=jnp.float32) * scale
    root1 = jax.random.normal(ks[4], (D, D), dtype=jnp.float32) * scale
    b1 = jnp.zeros((D,), dtype=jnp.float32)
    w2 = jax.random.normal(ks[5], (NUM_REL, D, D), dtype=jnp.float32) * scale
    root2 = jax.random.normal(ks[6], (D, D), dtype=jnp.float32) * scale
    b2 = jnp.zeros((D,), dtype=jnp.float32)
    wl = jax.random.normal(ks[7], (D, 1), dtype=jnp.float32) * scale
    bl = jnp.zeros((1,), dtype=jnp.float32)
    return {"x": x, "edge_index": edge_index, "edge_type": edge_type,
            "w1": w1, "root1": root1, "b1": b1,
            "w2": w2, "root2": root2, "b2": b2,
            "wl": wl, "bl": bl}


def _rgcn_conv(x, edge_index, edge_type, w, root, b):
    # PyG RGCNConv semantics: per-relation mean aggregation + root transform + bias
    src = edge_index[0]
    dst = edge_index[1]
    n = x.shape[0]
    out = x @ root + b
    x_src = jnp.take(x, src, axis=0)  # gather [E, D]
    for r in range(NUM_REL):
        mask = (edge_type == r).astype(x.dtype)  # [E]
        msg = (x_src @ w[r]) * mask[:, None]     # [E, D]
        s = jax.ops.segment_sum(msg, dst, num_segments=n)   # scatter-add
        c = jax.ops.segment_sum(mask, dst, num_segments=n)  # degree per relation
        out = out + s / jnp.maximum(c, 1.0)[:, None]
    return out


def reference(x, edge_index, edge_type, w1, root1, b1, w2, root2, b2, wl, bl):
    h = jax.nn.relu(_rgcn_conv(x, edge_index, edge_type, w1, root1, b1))
    h = jax.nn.relu(_rgcn_conv(h, edge_index, edge_type, w2, root2, b2))
    # batch is all zeros -> global_mean_pool is mean over all nodes, one graph
    g = jnp.mean(h, axis=0, keepdims=True)  # [1, D]
    return g @ wl + bl  # [1, 1]

if __name__ == "__main__":
    import jax
    _d = setup_inputs()
    print(jax.jit(kernel)(*tuple(_d.values())))

</pallas_src>

<mosaic_0001>
#map = affine_map<(d0, d1) -> (0, 0)>
#map1 = affine_map<(d0, d1) -> (0)>
#map2 = affine_map<(d0, d1) -> (0, 0, 0)>
module attributes {stable_mosaic.version = 14 : i64} {
  func.func @body(%arg0: i32, %arg1: i32, %arg2: memref<10000x128xf32, #tpu.memory_space<hbm>>, %arg3: memref<320000xi32, #tpu.memory_space<hbm>>, %arg4: memref<320000xi32, #tpu.memory_space<hbm>>, %arg5: memref<320000xi32, #tpu.memory_space<hbm>>, %arg6: memref<2x10240x128xf32, #tpu.memory_space<hbm>>, %arg7: memref<2x10240xf32, #tpu.memory_space<hbm>>, %arg8: memref<2112xi32, #tpu.memory_space<vmem>>, %arg9: memref<19x112xi32, #tpu.memory_space<vmem>>, %arg10: memref<4000xi32, #tpu.memory_space<vmem>>, %arg11: memref<4000xi32, #tpu.memory_space<vmem>>, %arg12: memref<4000xi32, #tpu.memory_space<vmem>>, %arg13: memref<112x128xf32, #tpu.memory_space<vmem>>, %arg14: memref<112x128xf32, #tpu.memory_space<vmem>>, %arg15: memref<112xf32, #tpu.memory_space<vmem>>, %arg16: memref<8x128xf32, #tpu.memory_space<vmem>>, %arg17: memref<160xf32, #tpu.memory_space<vmem>>, %arg18: memref<10240x128xf32, #tpu.memory_space<vmem_shared>>, %arg19: memref<10240xf32, #tpu.memory_space<vmem_shared>>, %arg20: memref<!tpu.dma_semaphore, #tpu.memory_space<semaphore_mem>>, %arg21: memref<!tpu.dma_semaphore, #tpu.memory_space<semaphore_mem>>, %arg22: memref<!tpu.dma_semaphore, #tpu.memory_space<semaphore_mem>>) attributes {dimension_semantics = [#tpu.dimension_semantics<core_parallel>, #tpu.dimension_semantics<subcore_parallel>], iteration_bounds = array<i64: 2, 16>, scalar_prefetch = 0 : i64, scratch_operands = 15 : i64, tpu.core_type = #tpu.core_type<sc_vector_subcore>, window_params = [{transform_indices = #map}, {transform_indices = #map1}, {transform_indices = #map1}, {transform_indices = #map1}, {transform_indices = #map2}, {transform_indices = #map}]} {
    %broadcast_in_dim3A = arith.constant 0.000000e+00 : f32
    %broadcast_in_dim3A_0 = vector.broadcast %broadcast_in_dim3A : f32 to vector<16xf32>
    %broadcast_in_dim3A_1 = arith.constant 1.000000e+00 : f32
    %broadcast_in_dim3A_2 = vector.broadcast %broadcast_in_dim3A_1 : f32 to vector<16xf32>
    %iota3A = tpu.iota {dimensions = array<i32: 0>} : vector<16xi32>
    %mul3A = arith.constant 20000 : i32
    %mul3A_3 = arith.muli %arg1, %mul3A : i32
    %dma_start3A = arith.constant 0 : i32
    %dma_start3A_4 = tpu.memref_slice %arg10[%dma_start3A] : memref<4000xi32, #tpu.memory_space<vmem>> -> memref<2000xi32, #tpu.memory_space<vmem>>
    %dma_start3A_5 = tpu.memref_slice %arg3[%mul3A_3] : memref<320000xi32, #tpu.memory_space<hbm>> -> memref<2000xi32, #tpu.memory_space<hbm>>
    %dma_start3A_6 = arith.constant 0 : i32
    %dma_start3A_7 = tpu.memref_slice %arg10[%dma_start3A_6] : memref<4000xi32, #tpu.memory_space<vmem>> -> memref<2000xi32, #tpu.memory_space<vmem>>
    %dma_start3A_8 = tpu.memref_slice %arg3[%mul3A_3] : memref<320000xi32, #tpu.memory_space<hbm>> -> memref<2000xi32, #tpu.memory_space<hbm>>
    tpu.enqueue_dma source(%dma_start3A_8 : memref<2000xi32, #tpu.memory_space<hbm>>) target(%dma_start3A_7 : memref<2000xi32, #tpu.memory_space<vmem>>) target_semaphore(%arg22 : memref<!tpu.dma_semaphore, #tpu.memory_space<semaphore_mem>>)
    %dma_start3A_9 = arith.constant 0 : i32
    %dma_start3A_10 = tpu.memref_slice %arg11[%dma_start3A_9] : memref<4000xi32, #tpu.memory_space<vmem>> -> memref<2000xi32, #tpu.memory_space<vmem>>
    %dma_start3A_11 = tpu.memref_slice %arg4[%mul3A_3] : memref<320000xi32, #tpu.memory_space<hbm>> -> memref<2000xi32, #tpu.memory_space<hbm>>
    %dma_start3A_12 = arith.constant 0 : i32
    %dma_start3A_13 = tpu.memref_slice %arg11[%dma_start3A_12] : memref<4000xi32, #tpu.memory_space<vmem>> -> memref<2000xi32, #tpu.memory_space<vmem>>
    %dma_start3A_14 = tpu.memref_slice %arg4[%mul3A_3] : memref<320000xi32, #tpu.memory_space<hbm>> -> memref<2000xi32, #tpu.memory_space<hbm>>
    tpu.enqueue_dma source(%dma_start3A_14 : memref<2000xi32, #tpu.memory_space<hbm>>) target(%dma_start3A_13 : memref<2000xi32, #tpu.memory_space<vmem>>) target_semaphore(%arg22 : memref<!tpu.dma_semaphore, #tpu.memory_space<semaphore_mem>>)
    %dma_start3A_15 = arith.constant 0 : i32
    %dma_start3A_16 = tpu.memref_slice %arg12[%dma_start3A_15] : memref<4000xi32, #tpu.memory_space<vmem>> -> memref<2000xi32, #tpu.memory_space<vmem>>
    %dma_start3A_17 = tpu.memref_slice %arg5[%mul3A_3] : memref<320000xi32, #tpu.memory_space<hbm>> -> memref<2000xi32, #tpu.memory_space<hbm>>
    %dma_start3A_18 = arith.constant 0 : i32
    %dma_start3A_19 = tpu.memref_slice %arg12[%dma_start3A_18] : memref<4000xi32, #tpu.memory_space<vmem>> -> memref<2000xi32, #tpu.memory_space<vmem>>
    %dma_start3A_20 = tpu.memref_slice %arg5[%mul3A_3] : memref<320000xi32, #tpu.memory_space<hbm>> -> memref<2000xi32, #tpu.memory_space<hbm>>
    tpu.enqueue_dma source(%dma_start3A_20 : memref<2000xi32, #tpu.memory_space<hbm>>) target(%dma_start3A_19 : memref<2000xi32, #tpu.memory_space<vmem>>) target_semaphore(%arg22 : memref<!tpu.dma_semaphore, #tpu.memory_space<semaphore_mem>>)
    %scan3A = arith.constant 0 : i32
    %scan3A_21 = arith.constant 0 : i32
    %scan3A_22 = arith.constant 64 : i32
    %scan3A_23 = arith.addi %scan3A_21, %scan3A_22 : i32
    %scan3A_24 = arith.constant 1 : i32
    %scan3A_25 = scf.for %scan3A_68 = %scan3A_21 to %scan3A_23 step %scan3A_24 iter_args(%scan3A_69 = %scan3A) -> (i32)  : i32 {
      %jit3A = arith.constant 8 : i32
      %div3A = arith.divsi %scan3A_68, %jit3A : i32
      %sign3A = arith.constant 0 : i32
      %sign3A_70 = arith.cmpi sgt, %scan3A_68, %sign3A : i32
      %sign3A_71 = arith.extui %sign3A_70 : i1 to i32
      %sign3A_72 = arith.constant 0 : i32
      %sign3A_73 = arith.cmpi slt, %scan3A_68, %sign3A_72 : i32
      %sign3A_74 = arith.extui %sign3A_73 : i1 to i32
      %sign3A_75 = arith.subi %sign3A_71, %sign3A_74 : i32
      %sign3A_76 = arith.constant 0 : i32
      %sign3A_77 = arith.cmpi sgt, %jit3A, %sign3A_76 : i32
      %sign3A_78 = arith.extui %sign3A_77 : i1 to i32
      %sign3A_79 = arith.constant 0 : i32
      %sign3A_80 = arith.cmpi slt, %jit3A, %sign3A_79 : i32
      %sign3A_81 = arith.extui %sign3A_80 : i1 to i32
      %sign3A_82 = arith.subi %sign3A_78, %sign3A_81 : i32
      %ne3A = arith.cmpi ne, %sign3A_75, %sign3A_82 : i32
      %rem3A = arith.remsi %scan3A_68, %jit3A : i32
      %ne3A_83 = arith.constant 0 : i32
      %ne3A_84 = arith.cmpi ne, %rem3A, %ne3A_83 : i32
      %and3A = arith.andi %ne3A, %ne3A_84 : i1
      %sub3A = arith.constant 1 : i32
      %sub3A_85 = arith.subi %div3A, %sub3A : i32
      %select_n3A = arith.select %and3A, %sub3A_85, %div3A : i32
      %mul3A_86 = arith.constant 8 : i32
      %mul3A_87 = arith.muli %select_n3A, %mul3A_86 : i32
      %sub3A_88 = arith.subi %scan3A_68, %mul3A_87 : i32
      %mul3A_89 = arith.constant 16 : i32
      %mul3A_90 = arith.muli %sub3A_88, %mul3A_89 : i32
      %swap3A = arith.index_cast %select_n3A : i32 to index
      %swap3A_91 = arith.index_cast %mul3A_90 : i32 to index
      %swap3A_92 = tpu.vector_load %arg16[%swap3A, %swap3A_91] {strides = array<i32>} : memref<8x128xf32, #tpu.memory_space<vmem>>, vector<16xf32>,
      tpu.vector_store %arg16[%swap3A, %swap3A_91], %broadcast_in_dim3A_0 {strides = array<i32>} : memref<8x128xf32, #tpu.memory_space<vmem>>, vector<16xf32>,
      %scan3A_93 = arith.constant 0 : i32
      scf.yield %scan3A_93 : i32
    }
    %scan3A_26 = arith.constant 64 : i32
    %scan3A_27 = arith.constant 0 : i32
    %scan3A_28 = arith.constant 0 : i32
    %scan3A_29 = arith.constant 10 : i32
    %scan3A_30 = arith.addi %scan3A_28, %scan3A_29 : i32
    %scan3A_31 = arith.constant 1 : i32
    %scan3A_32 = scf.for %scan3A_68 = %scan3A_28 to %scan3A_30 step %scan3A_31 iter_args(%scan3A_69 = %scan3A_27) -> (i32)  : i32 {
      %mul3A_70 = arith.constant 16 : i32
      %mul3A_71 = arith.muli %scan3A_68, %mul3A_70 : i32
      %swap3A = arith.index_cast %mul3A_71 : i32 to index
      %swap3A_72 = tpu.vector_load %arg17[%swap3A] {strides = array<i32>} : memref<160xf32, #tpu.memory_space<vmem>>, vector<16xf32>,
      tpu.vector_store %arg17[%swap3A], %broadcast_in_dim3A_0 {strides = array<i32>} : memref<160xf32, #tpu.memory_space<vmem>>, vector<16xf32>,
      %scan3A_73 = arith.constant 0 : i32
      scf.yield %scan3A_73 : i32
    }
    %scan3A_33 = arith.constant 10 : i32
    %scan3A_34 = arith.constant 0 : i32
    %scan3A_35 = arith.constant 0 : i32
    %scan3A_36 = arith.constant 7 : i32
    %scan3A_37 = arith.addi %scan3A_35, %scan3A_36 : i32
    %scan3A_38 = arith.constant 1 : i32
    %scan3A_39 = scf.for %scan3A_68 = %scan3A_35 to %scan3A_37 step %scan3A_38 iter_args(%scan3A_69 = %scan3A_34) -> (i32)  : i32 {
      %mul3A_70 = arith.constant 16 : i32
      %mul3A_71 = arith.muli %scan3A_68, %mul3A_70 : i32
      %swap3A = arith.index_cast %mul3A_71 : i32 to index
      %swap3A_72 = tpu.vector_load %arg15[%swap3A] {strides = array<i32>} : memref<112xf32, #tpu.memory_space<vmem>>, vector<16xf32>,
      tpu.vector_store %arg15[%swap3A], %broadcast_in_dim3A_2 {strides = array<i32>} : memref<112xf32, #tpu.memory_space<vmem>>, vector<16xf32>,
      %scan3A_73 = arith.constant 0 : i32
      scf.yield %scan3A_73 : i32
    }
    %scan3A_40 = arith.constant 7 : i32
    %mul3A_41 = arith.constant 640 : i32
    %mul3A_42 = arith.muli %arg1, %mul3A_41 : i32
    %scan3A_43 = arith.constant 0 : i32
    %scan3A_44 = arith.constant 0 : i32
    %scan3A_45 = arith.constant 80 : i32
    %scan3A_46 = arith.addi %scan3A_44, %scan3A_45 : i32
    %scan3A_47 = arith.constant 1 : i32
    %scan3A_48 = scf.for %scan3A_68 = %scan3A_44 to %scan3A_46 step %scan3A_47 iter_args(%scan3A_69 = %scan3A_43) -> (i32)  : i32 {
      %mul3A_70 = arith.constant 8 : i32
      %mul3A_71 = arith.muli %scan3A_68, %mul3A_70 : i32
      %add3A_72 = arith.addi %mul3A_42, %mul3A_71 : i32
      "tpu.region"() ({
        %run_scoped3A = tpu.sem_alloc : memref<!tpu.dma_semaphore, #tpu.memory_space<semaphore_mem>>
        %dma_start3A_74 = arith.constant 0 : i32
        %dma_start3A_75 = tpu.memref_slice %arg18[%add3A_72, %dma_start3A_74] : memref<10240x128xf32, #tpu.memory_space<vmem_shared>> -> memref<8x128xf32, #tpu.memory_space<vmem_shared>>
        %dma_start3A_76 = arith.constant 0 : i32
        %dma_start3A_77 = tpu.memref_slice %arg18[%add3A_72, %dma_start3A_76] : memref<10240x128xf32, #tpu.memory_space<vmem_shared>> -> memref<8x128xf32, #tpu.memory_space<vmem_shared>>
        tpu.enqueue_dma source(%arg16 : memref<8x128xf32, #tpu.memory_space<vmem>>) target(%dma_start3A_77 : memref<8x128xf32, #tpu.memory_space<vmem_shared>>) target_semaphore(%run_scoped3A : memref<!tpu.dma_semaphore, #tpu.memory_space<semaphore_mem>>)
        %dma_wait3A = arith.constant 0 : i32
        %dma_wait3A_78 = tpu.memref_slice %arg18[%add3A_72, %dma_wait3A] : memref<10240x128xf32, #tpu.memory_space<vmem_shared>> -> memref<8x128xf32, #tpu.memory_space<vmem_shared>>
        %dma_wait3A_79 = arith.constant 0 : i32
        %dma_wait3A_80 = tpu.memref_slice %arg18[%add3A_72, %dma_wait3A_79] : memref<10240x128xf32, #tpu.memory_space<vmem_shared>> -> memref<8x128xf32, #tpu.memory_space<vmem_shared>>
        tpu.wait_dma2 semaphore(%run_scoped3A : memref<!tpu.dma_semaphore, #tpu.memory_space<semaphore_mem>>) src(%arg16 : memref<8x128xf32, #tpu.memory_space<vmem>>) dst(%dma_wait3A_80 : memref<8x128xf32, #tpu.memory_space<vmem_shared>>)
        tpu.yield
      }) : () -> ()
      %scan3A_73 = arith.constant 0 : i32
      scf.yield %scan3A_73 : i32
    }
    %scan3A_49 = arith.constant 80 : i32
    %add3A = arith.constant 0 : i32
    %add3A_50 = arith.addi %mul3A_42, %add3A : i32
    "tpu.region"() ({
      %run_scoped3A = tpu.sem_alloc : memref<!tpu.dma_semaphore, #tpu.memory_space<semaphore_mem>>
      %dma_start3A_68 = tpu.memref_slice %arg19[%add3A_50] : memref<10240xf32, #tpu.memory_space<vmem_shared>> -> memref<160xf32, #tpu.memory_space<vmem_shared>>
      %dma_start3A_69 = tpu.memref_slice %arg19[%add3A_50] : memref<10240xf32, #tpu.memory_space<vmem_shared>> -> memref<160xf32, #tpu.memory_space<vmem_shared>>
      tpu.enqueue_dma source(%arg17 : memref<160xf32, #tpu.memory_space<vmem>>) target(%dma_start3A_69 : memref<160xf32, #tpu.memory_space<vmem_shared>>) target_semaphore(%run_scoped3A : memref<!tpu.dma_semaphore, #tpu.memory_space<semaphore_mem>>)
      %dma_wait3A = tpu.memref_slice %arg19[%add3A_50] : memref<10240xf32, #tpu.memory_space<vmem_shared>> -> memref<160xf32, #tpu.memory_space<vmem_shared>>
      %dma_wait3A_70 = tpu.memref_slice %arg19[%add3A_50] : memref<10240xf32, #tpu.memory_space<vmem_shared>> -> memref<160xf32, #tpu.memory_space<vmem_shared>>
      tpu.wait_dma2 semaphore(%run_scoped3A : memref<!tpu.dma_semaphore, #tpu.memory_space<semaphore_mem>>) src(%arg17 : memref<160xf32, #tpu.memory_space<vmem>>) dst(%dma_wait3A_70 : memref<160xf32, #tpu.memory_space<vmem_shared>>)
      tpu.yield
    }) : () -> ()
    %add3A_51 = arith.constant 160 : i32
    %add3A_52 = arith.addi %mul3A_42, %add3A_51 : i32
    "tpu.region"() ({
      %run_scoped3A = tpu.sem_alloc : memref<!tpu.dma_semaphore, #tpu.memory_space<semaphore_mem>>
      %dma_start3A_68 = tpu.memref_slice %arg19[%add3A_52] : memref<10240xf32, #tpu.memory_space<vmem_shared>> -> memref<160xf32, #tpu.memory_space<vmem_shared>>
      %dma_start3A_69 = tpu.memref_slice %arg19[%add3A_52] : memref<10240xf32, #tpu.memory_space<vmem_shared>> -> memref<160xf32, #tpu.memory_space<vmem_shared>>
      tpu.enqueue_dma source(%arg17 : memref<160xf32, #tpu.memory_space<vmem>>) target(%dma_start3A_69 : memref<160xf32, #tpu.memory_space<vmem_shared>>) target_semaphore(%run_scoped3A : memref<!tpu.dma_semaphore, #tpu.memory_space<semaphore_mem>>)
      %dma_wait3A = tpu.memref_slice %arg19[%add3A_52] : memref<10240xf32, #tpu.memory_space<vmem_shared>> -> memref<160xf32, #tpu.memory_space<vmem_shared>>
      %dma_wait3A_70 = tpu.memref_slice %arg19[%add3A_52] : memref<10240xf32, #tpu.memory_space<vmem_shared>> -> memref<160xf32, #tpu.memory_space<vmem_shared>>
      tpu.wait_dma2 semaphore(%run_scoped3A : memref<!tpu.dma_semaphore, #tpu.memory_space<semaphore_mem>>) src(%arg17 : memref<160xf32, #tpu.memory_space<vmem>>) dst(%dma_wait3A_70 : memref<160xf32, #tpu.memory_space<vmem_shared>>)
      tpu.yield
    }) : () -> ()
    %add3A_53 = arith.constant 320 : i32
    %add3A_54 = arith.addi %mul3A_42, %add3A_53 : i32
    "tpu.region"() ({
      %run_scoped3A = tpu.sem_alloc : memref<!tpu.dma_semaphore, #tpu.memory_space<semaphore_mem>>
      %dma_start3A_68 = tpu.memref_slice %arg19[%add3A_54] : memref<10240xf32, #tpu.memory_space<vmem_shared>> -> memref<160xf32, #tpu.memory_space<vmem_shared>>
      %dma_start3A_69 = tpu.memref_slice %arg19[%add3A_54] : memref<10240xf32, #tpu.memory_space<vmem_shared>> -> memref<160xf32, #tpu.memory_space<vmem_shared>>
      tpu.enqueue_dma source(%arg17 : memref<160xf32, #tpu.memory_space<vmem>>) target(%dma_start3A_69 : memref<160xf32, #tpu.memory_space<vmem_shared>>) target_semaphore(%run_scoped3A : memref<!tpu.dma_semaphore, #tpu.memory_space<semaphore_mem>>)
      %dma_wait3A = tpu.memref_slice %arg19[%add3A_54] : memref<10240xf32, #tpu.memory_space<vmem_shared>> -> memref<160xf32, #tpu.memory_space<vmem_shared>>
      %dma_wait3A_70 = tpu.memref_slice %arg19[%add3A_54] : memref<10240xf32, #tpu.memory_space<vmem_shared>> -> memref<160xf32, #tpu.memory_space<vmem_shared>>
      tpu.wait_dma2 semaphore(%run_scoped3A : memref<!tpu.dma_semaphore, #tpu.memory_space<semaphore_mem>>) src(%arg17 : memref<160xf32, #tpu.memory_space<vmem>>) dst(%dma_wait3A_70 : memref<160xf32, #tpu.memory_space<vmem_shared>>)
      tpu.yield
    }) : () -> ()
    %add3A_55 = arith.constant 480 : i32
    %add3A_56 = arith.addi %mul3A_42, %add3A_55 : i32
    "tpu.region"() ({
      %run_scoped3A = tpu.sem_alloc : memref<!tpu.dma_semaphore, #tpu.memory_space<semaphore_mem>>
      %dma_start3A_68 = tpu.memref_slice %arg19[%add3A_56] : memref<10240xf32, #tpu.memory_space<vmem_shared>> -> memref<160xf32, #tpu.memory_space<vmem_shared>>
      %dma_start3A_69 = tpu.memref_slice %arg19[%add3A_56] : memref<10240xf32, #tpu.memory_space<vmem_shared>> -> memref<160xf32, #tpu.memory_space<vmem_shared>>
      tpu.enqueue_dma source(%arg17 : memref<160xf32, #tpu.memory_space<vmem>>) target(%dma_start3A_69 : memref<160xf32, #tpu.memory_space<vmem_shared>>) target_semaphore(%run_scoped3A : memref<!tpu.dma_semaphore, #tpu.memory_space<semaphore_mem>>)
      %dma_wait3A = tpu.memref_slice %arg19[%add3A_56] : memref<10240xf32, #tpu.memory_space<vmem_shared>> -> memref<160xf32, #tpu.memory_space<vmem_shared>>
      %dma_wait3A_70 = tpu.memref_slice %arg19[%add3A_56] : memref<10240xf32, #tpu.memory_space<vmem_shared>> -> memref<160xf32, #tpu.memory_space<vmem_shared>>
      tpu.wait_dma2 semaphore(%run_scoped3A : memref<!tpu.dma_semaphore, #tpu.memory_space<semaphore_mem>>) src(%arg17 : memref<160xf32, #tpu.memory_space<vmem>>) dst(%dma_wait3A_70 : memref<160xf32, #tpu.memory_space<vmem_shared>>)
      tpu.yield
    }) : () -> ()
    %barrier3A = arith.constant 0 : index
    tpu.barrier barrier_id(%barrier3A)
    %add3A_57 = arith.constant 10000 : i32
    %add3A_58 = vector.broadcast %add3A_57 : i32 to vector<16xi32>
    %add3A_59 = arith.addi %add3A_58, %iota3A : vector<16xi32>
    %scan3A_60 = arith.constant 0 : i32
    %scan3A_61 = arith.constant 0 : i32
    %scan3A_62 = arith.constant 10 : i32
    %scan3A_63 = arith.addi %scan3A_61, %scan3A_62 : i32
    %scan3A_64 = arith.constant 1 : i32
    %scan3A_65 = scf.for %scan3A_68 = %scan3A_61 to %scan3A_63 step %scan3A_64 iter_args(%scan3A_69 = %scan3A_60) -> (i32)  : i32 {
      %and3A = arith.constant 1 : i32
      %and3A_70 = arith.andi %scan3A_68, %and3A : i32
      %mul3A_71 = arith.constant 2000 : i32
      %mul3A_72 = arith.muli %and3A_70, %mul3A_71 : i32
      %dma_wait3A = tpu.memref_slice %arg10[%mul3A_72] : memref<4000xi32, #tpu.memory_space<vmem>> -> memref<2000xi32, #tpu.memory_space<vmem>>
      %dma_wait3A_73 = tpu.memref_slice %arg3[%mul3A_3] : memref<320000xi32, #tpu.memory_space<hbm>> -> memref<2000xi32, #tpu.memory_space<hbm>>
      %dma_wait3A_74 = tpu.memref_slice %arg10[%mul3A_72] : memref<4000xi32, #tpu.memory_space<vmem>> -> memref<2000xi32, #tpu.memory_space<vmem>>
      %dma_wait3A_75 = tpu.memref_slice %arg3[%mul3A_3] : memref<320000xi32, #tpu.memory_space<hbm>> -> memref<2000xi32, #tpu.memory_space<hbm>>
      tpu.wait_dma2 semaphore(%arg22 : memref<!tpu.dma_semaphore, #tpu.memory_space<semaphore_mem>>) src(%dma_wait3A_75 : memref<2000xi32, #tpu.memory_space<hbm>>) dst(%dma_wait3A_74 : memref<2000xi32, #tpu.memory_space<vmem>>)
      %dma_wait3A_76 = tpu.memref_slice %arg11[%mul3A_72] : memref<4000xi32, #tpu.memory_space<vmem>> -> memref<2000xi32, #tpu.memory_space<vmem>>
      %dma_wait3A_77 = tpu.memref_slice %arg4[%mul3A_3] : memref<320000xi32, #tpu.memory_space<hbm>> -> memref<2000xi32, #tpu.memory_space<hbm>>
      %dma_wait3A_78 = tpu.memref_slice %arg11[%mul3A_72] : memref<4000xi32, #tpu.memory_space<vmem>> -> memref<2000xi32, #tpu.memory_space<vmem>>
      %dma_wait3A_79 = tpu.memref_slice %arg4[%mul3A_3] : memref<320000xi32, #tpu.memory_space<hbm>> -> memref<2000xi32, #tpu.memory_space<hbm>>
      tpu.wait_dma2 semaphore(%arg22 : memref<!tpu.dma_semaphore, #tpu.memory_space<semaphore_mem>>) src(%dma_wait3A_79 : memref<2000xi32, #tpu.memory_space<hbm>>) dst(%dma_wait3A_78 : memref<2000xi32, #tpu.memory_space<vmem>>)
      %dma_wait3A_80 = tpu.memref_slice %arg12[%mul3A_72] : memref<4000xi32, #tpu.memory_space<vmem>> -> memref<2000xi32, #tpu.memory_space<vmem>>
      %dma_wait3A_81 = tpu.memref_slice %arg5[%mul3A_3] : memref<320000xi32, #tpu.memory_space<hbm>> -> memref<2000xi32, #tpu.memory_space<hbm>>
      %dma_wait3A_82 = tpu.memref_slice %arg12[%mul3A_72] : memref<4000xi32, #tpu.memory_space<vmem>> -> memref<2000xi32, #tpu.memory_space<vmem>>
      %dma_wait3A_83 = tpu.memref_slice %arg5[%mul3A_3] : memref<320000xi32, #tpu.memory_space<hbm>> -> memref<2000xi32, #tpu.memory_space<hbm>>
      tpu.wait_dma2 semaphore(%arg22 : memref<!tpu.dma_semaphore, #tpu.memory_space<semaphore_mem>>) src(%dma_wait3A_83 : memref<2000xi32, #tpu.memory_space<hbm>>) dst(%dma_wait3A_82 : memref<2000xi32, #tpu.memory_space<vmem>>)
      %add3A_84 = arith.constant 1 : i32
      %add3A_85 = arith.addi %scan3A_68, %add3A_84 : i32
      %lt3A = arith.constant 10 : i32
      %lt3A_86 = arith.cmpi slt, %add3A_85, %lt3A : i32
      %convert_element_type3A = arith.extui %lt3A_86 : i1 to i32
      %cond3A = arith.constant 0 : i32
      %cond3A_87 = arith.cmpi ne, %convert_element_type3A, %cond3A : i32
      scf.if %cond3A_87 {
        %add3A_580 = arith.constant 1 : i32
        %add3A_581 = arith.addi %scan3A_68, %add3A_580 : i32
        %mul3A_582 = arith.constant 2000 : i32
        %mul3A_583 = arith.muli %add3A_581, %mul3A_582 : i32
        %add3A_584 = arith.addi %mul3A_3, %mul3A_583 : i32
        %sub3A_585 = arith.constant 2000 : i32
        %sub3A_586 = arith.subi %sub3A_585, %mul3A_72 : i32
        %dma_start3A_587 = tpu.memref_slice %arg10[%sub3A_586] : memref<4000xi32, #tpu.memory_space<vmem>> -> memref<2000xi32, #tpu.memory_space<vmem>>
        %dma_start3A_588 = tpu.memref_slice %arg3[%add3A_584] : memref<320000xi32, #tpu.memory_space<hbm>> -> memref<2000xi32, #tpu.memory_space<hbm>>
        %dma_start3A_589 = tpu.memref_slice %arg10[%sub3A_586] : memref<4000xi32, #tpu.memory_space<vmem>> -> memref<2000xi32, #tpu.memory_space<vmem>>
        %dma_start3A_590 = tpu.memref_slice %arg3[%add3A_584] : memref<320000xi32, #tpu.memory_space<hbm>> -> memref<2000xi32, #tpu.memory_space<hbm>>
        tpu.enqueue_dma source(%dma_start3A_590 : memref<2000xi32, #tpu.memory_space<hbm>>) target(%dma_start3A_589 : memref<2000xi32, #tpu.memory_space<vmem>>) target_semaphore(%arg22 : memref<!tpu.dma_semaphore, #tpu.memory_space<semaphore_mem>>)
        %dma_start3A_591 = tpu.memref_slice %arg11[%sub3A_586] : memref<4000xi32, #tpu.memory_space<vmem>> -> memref<2000xi32, #tpu.memory_space<vmem>>
        %dma_start3A_592 = tpu.memref_slice %arg4[%add3A_584] : memref<320000xi32, #tpu.memory_space<hbm>> -> memref<2000xi32, #tpu.memory_space<hbm>>
        %dma_start3A_593 = tpu.memref_slice %arg11[%sub3A_586] : memref<4000xi32, #tpu.memory_space<vmem>> -> memref<2000xi32, #tpu.memory_space<vmem>>
        %dma_start3A_594 = tpu.memref_slice %arg4[%add3A_584] : memref<320000xi32, #tpu.memory_space<hbm>> -> memref<2000xi32, #tpu.memory_space<hbm>>
        tpu.enqueue_dma source(%dma_start3A_594 : memref<2000xi32, #tpu.memory_space<hbm>>) target(%dma_start3A_593 : memref<2000xi32, #tpu.memory_space<vmem>>) target_semaphore(%arg22 : memref<!tpu.dma_semaphore, #tpu.memory_space<semaphore_mem>>)
        %dma_start3A_595 = tpu.memref_slice %arg12[%sub3A_586] : memref<4000xi32, #tpu.memory_space<vmem>> -> memref<2000xi32, #tpu.memory_space<vmem>>
        %dma_start3A_596 = tpu.memref_slice %arg5[%add3A_584] : memref<320000xi32, #tpu.memory_space<hbm>> -> memref<2000xi32, #tpu.memory_space<hbm>>
        %dma_start3A_597 = tpu.memref_slice %arg12[%sub3A_586] : memref<4000xi32, #tpu.memory_space<vmem>> -> memref<2000xi32, #tpu.memory_space<vmem>>
        %dma_start3A_598 = tpu.memref_slice %arg5[%add3A_584] : memref<320000xi32, #tpu.memory_space<hbm>> -> memref<2000xi32, #tpu.memory_space<hbm>>
        tpu.enqueue_dma source(%dma_start3A_598 : memref<2000xi32, #tpu.memory_space<hbm>>) target(%dma_start3A_597 : memref<2000xi32, #tpu.memory_space<vmem>>) target_semaphore(%arg22 : memref<!tpu.dma_semaphore, #tpu.memory_space<semaphore_mem>>)
      } else {
      }
      %scan3A_88 = arith.constant 0 : i32
      %scan3A_89 = arith.constant 0 : i32
      %scan3A_90 = arith.constant 125 : i32
      %scan3A_91 = arith.addi %scan3A_89, %scan3A_90 : i32
      %scan3A_92 = arith.constant 1 : i32
      %scan3A_93 = scf.for %scan3A_580 = %scan3A_89 to %scan3A_91 step %scan3A_92 iter_args(%scan3A_581 = %scan3A_88) -> (i32)  : i32 {
        %mul3A_582 = arith.constant 16 : i32
        %mul3A_583 = arith.muli %scan3A_580, %mul3A_582 : i32
        %add3A_584 = arith.addi %mul3A_72, %mul3A_583 : i32
        %get3A = arith.index_cast %add3A_584 : i32 to index
        %get3A_585 = tpu.vector_load %arg10[%get3A] {strides = array<i32>} : memref<4000xi32, #tpu.memory_space<vmem>>, vector<16xi32>,
        %mul3A_586 = arith.constant 16 : i32
        %mul3A_587 = arith.muli %scan3A_580, %mul3A_586 : i32
        %add3A_588 = arith.addi %mul3A_72, %mul3A_587 : i32
        %get3A_589 = arith.index_cast %add3A_588 : i32 to index
        %get3A_590 = tpu.vector_load %arg11[%get3A_589] {strides = array<i32>} : memref<4000xi32, #tpu.memory_space<vmem>>, vector<16xi32>,
        %mul3A_591 = arith.constant 16 : i32
        %mul3A_592 = arith.muli %scan3A_580, %mul3A_591 : i32
        %add3A_593 = arith.addi %mul3A_72, %mul3A_592 : i32
        %get3A_594 = arith.index_cast %add3A_593 : i32 to index
        %get3A_595 = tpu.vector_load %arg12[%get3A_594] {strides = array<i32>} : memref<4000xi32, #tpu.memory_space<vmem>>, vector<16xi32>,
        %eq3A_596 = vector.broadcast %arg0 : i32 to vector<16xi32>
        %eq3A_597 = arith.cmpi eq, %get3A_595, %eq3A_596 : vector<16xi32>
        %jit3A_598 = arith.constant 1 : i32
        %jit3A_599 = arith.constant 0 : i32
        %broadcast_in_dim3A_600 = vector.broadcast %jit3A_598 : i32 to vector<16xi32>
        %broadcast_in_dim3A_601 = vector.broadcast %jit3A_599 : i32 to vector<16xi32>
        %select_n3A_602 = arith.select %eq3A_597, %broadcast_in_dim3A_600, %broadcast_in_dim3A_601 : vector<16xi1>, vector<16xi32>
        %broadcast_in_dim3A_603 = arith.constant true
        %broadcast_in_dim3A_604 = vector.broadcast %broadcast_in_dim3A_603 : i1 to vector<16xi1>
        %masked_cumsum3A = tpu.scan <sum>, %select_n3A_602 masked %broadcast_in_dim3A_604 : vector<16xi32>, vector<16xi1> -> vector<16xi32>
        %add3A_605 = vector.broadcast %scan3A_581 : i32 to vector<16xi32>
        %add3A_606 = arith.addi %add3A_605, %masked_cumsum3A : vector<16xi32>
        %sub3A_607 = arith.constant 1 : i32
        %sub3A_608 = vector.broadcast %sub3A_607 : i32 to vector<16xi32>
        %sub3A_609 = arith.subi %add3A_606, %sub3A_608 : vector<16xi32>
        tpu.vector_store_idx %arg8[%sub3A_609], %get3A_585 masked %eq3A_597 : memref<2112xi32, #tpu.memory_space<vmem>>[vector<16xi32>], vector<16xi32>, vector<16xi1>
        %jit3A_610 = arith.constant 112 : i32
        %div3A_611 = vector.broadcast %jit3A_610 : i32 to vector<16xi32>
        %div3A_612 = arith.divsi %sub3A_609, %div3A_611 : vector<16xi32>
        %sign3A_613 = arith.constant 0 : i32
        %sign3A_614 = vector.broadcast %sign3A_613 : i32 to vector<16xi32>
        %sign3A_615 = arith.cmpi sgt, %sub3A_609, %sign3A_614 : vector<16xi32>
        %sign3A_616 = arith.extui %sign3A_615 : vector<16xi1> to vector<16xi32>
        %sign3A_617 = arith.constant 0 : i32
        %sign3A_618 = vector.broadcast %sign3A_617 : i32 to vector<16xi32>
        %sign3A_619 = arith.cmpi slt, %sub3A_609, %sign3A_618 : vector<16xi32>
        %sign3A_620 = arith.extui %sign3A_619 : vector<16xi1> to vector<16xi32>
        %sign3A_621 = arith.subi %sign3A_616, %sign3A_620 : vector<16xi32>
        %sign3A_622 = arith.constant 0 : i32
        %sign3A_623 = arith.cmpi sgt, %jit3A_610, %sign3A_622 : i32
        %sign3A_624 = arith.extui %sign3A_623 : i1 to i32
        %sign3A_625 = arith.constant 0 : i32
        %sign3A_626 = arith.cmpi slt, %jit3A_610, %sign3A_625 : i32
        %sign3A_627 = arith.extui %sign3A_626 : i1 to i32
        %sign3A_628 = arith.subi %sign3A_624, %sign3A_627 : i32
        %ne3A_629 = vector.broadcast %sign3A_628 : i32 to vector<16xi32>
        %ne3A_630 = arith.cmpi ne, %sign3A_621, %ne3A_629 : vector<16xi32>
        %rem3A_631 = vector.broadcast %jit3A_610 : i32 to vector<16xi32>
        %rem3A_632 = arith.remsi %sub3A_609, %rem3A_631 : vector<16xi32>
        %ne3A_633 = arith.constant 0 : i32
        %ne3A_634 = vector.broadcast %ne3A_633 : i32 to vector<16xi32>
        %ne3A_635 = arith.cmpi ne, %rem3A_632, %ne3A_634 : vector<16xi32>
        %and3A_636 = arith.andi %ne3A_630, %ne3A_635 : vector<16xi1>
        %sub3A_637 = arith.constant 1 : i32
        %sub3A_638 = vector.broadcast %sub3A_637 : i32 to vector<16xi32>
        %sub3A_639 = arith.subi %div3A_612, %sub3A_638 : vector<16xi32>
        %select_n3A_640 = arith.select %and3A_636, %sub3A_639, %div3A_612 : vector<16xi1>, vector<16xi32>
        %jit3A_641 = arith.constant 112 : i32
        %eq3A_642 = arith.constant 0 : i32
        %eq3A_643 = arith.cmpi eq, %jit3A_641, %eq3A_642 : i32
        %jit3A_644 = arith.constant 1 : i32
        %select_n3A_645 = arith.select %eq3A_643, %jit3A_644, %jit3A_641 : i32
        %rem3A_646 = vector.broadcast %select_n3A_645 : i32 to vector<16xi32>
        %rem3A_647 = arith.remsi %sub3A_609, %rem3A_646 : vector<16xi32>
        %ne3A_648 = arith.constant 0 : i32
        %ne3A_649 = vector.broadcast %ne3A_648 : i32 to vector<16xi32>
        %ne3A_650 = arith.cmpi ne, %rem3A_647, %ne3A_649 : vector<16xi32>
        %lt3A_651 = arith.constant 0 : i32
        %lt3A_652 = vector.broadcast %lt3A_651 : i32 to vector<16xi32>
        %lt3A_653 = arith.cmpi slt, %rem3A_647, %lt3A_652 : vector<16xi32>
        %lt3A_654 = arith.constant 0 : i32
        %lt3A_655 = arith.cmpi slt, %select_n3A_645, %lt3A_654 : i32
        %ne3A_656 = vector.broadcast %lt3A_655 : i1 to vector<16xi1>
        %ne3A_657 = vector.broadcast %ne3A_656 : vector<16xi1> to vector<16xi1>
        %ne3A_658 = arith.xori %lt3A_653, %ne3A_657 : vector<16xi1>
        %and3A_659 = arith.andi %ne3A_658, %ne3A_650 : vector<16xi1>
        %add3A_660 = vector.broadcast %select_n3A_645 : i32 to vector<16xi32>
        %add3A_661 = arith.addi %rem3A_647, %add3A_660 : vector<16xi32>
        %select_n3A_662 = arith.select %and3A_659, %add3A_661, %rem3A_647 : vector<16xi1>, vector<16xi32>
        tpu.vector_store_idx %arg9[%select_n3A_640, %select_n3A_662], %get3A_590 masked %eq3A_597 : memref<19x112xi32, #tpu.memory_space<vmem>>[vector<16xi32>, vector<16xi32>], vector<16xi32>, vector<16xi1>
        %reduce_sum3A = arith.constant true
        %reduce_sum3A_663 = vector.broadcast %reduce_sum3A : i1 to vector<16xi1>
        %reduce_sum3A_664 = tpu.scan <sum>, %select_n3A_602 masked %reduce_sum3A_663 : vector<16xi32>, vector<16xi1> -> vector<16xi32>
        %reduce_sum3A_665 = vector.extract %reduce_sum3A_664[15] : i32 from vector<16xi32>
        %add3A_666 = arith.addi %scan3A_581, %reduce_sum3A_665 : i32
        scf.yield %add3A_666 : i32
      }
      %scan3A_94 = arith.constant 125 : i32
      %add3A_95 = arith.constant 0 : i32
      %add3A_96 = arith.addi %scan3A_93, %add3A_95 : i32
      %add3A_97 = vector.broadcast %add3A_96 : i32 to vector<16xi32>
      %add3A_98 = arith.addi %add3A_97, %iota3A : vector<16xi32>
      %add3A_99 = arith.constant 0 : i32
      %add3A_100 = vector.broadcast %add3A_99 : i32 to vector<16xi32>
      %add3A_101 = arith.addi %iota3A, %add3A_100 : vector<16xi32>
      tpu.vector_store_idx %arg8[%add3A_98], %add3A_101 : memref<2112xi32, #tpu.memory_space<vmem>>[vector<16xi32>], vector<16xi32>,
      %jit3A = arith.constant 112 : i32
      %div3A = vector.broadcast %jit3A : i32 to vector<16xi32>
      %div3A_102 = arith.divsi %add3A_98, %div3A : vector<16xi32>
      %sign3A = arith.constant 0 : i32
      %sign3A_103 = vector.broadcast %sign3A : i32 to vector<16xi32>
      %sign3A_104 = arith.cmpi sgt, %add3A_98, %sign3A_103 : vector<16xi32>
      %sign3A_105 = arith.extui %sign3A_104 : vector<16xi1> to vector<16xi32>
      %sign3A_106 = arith.constant 0 : i32
      %sign3A_107 = vector.broadcast %sign3A_106 : i32 to vector<16xi32>
      %sign3A_108 = arith.cmpi slt, %add3A_98, %sign3A_107 : vector<16xi32>
      %sign3A_109 = arith.extui %sign3A_108 : vector<16xi1> to vector<16xi32>
      %sign3A_110 = arith.subi %sign3A_105, %sign3A_109 : vector<16xi32>
      %sign3A_111 = arith.constant 0 : i32
      %sign3A_112 = arith.cmpi sgt, %jit3A, %sign3A_111 : i32
      %sign3A_113 = arith.extui %sign3A_112 : i1 to i32
      %sign3A_114 = arith.constant 0 : i32
      %sign3A_115 = arith.cmpi slt, %jit3A, %sign3A_114 : i32
      %sign3A_116 = arith.extui %sign3A_115 : i1 to i32
      %sign3A_117 = arith.subi %sign3A_113, %sign3A_116 : i32
      %ne3A = vector.broadcast %sign3A_117 : i32 to vector<16xi32>
      %ne3A_118 = arith.cmpi ne, %sign3A_110, %ne3A : vector<16xi32>
      %rem3A = vector.broadcast %jit3A : i32 to vector<16xi32>
      %rem3A_119 = arith.remsi %add3A_98, %rem3A : vector<16xi32>
      %ne3A_120 = arith.constant 0 : i32
      %ne3A_121 = vector.broadcast %ne3A_120 : i32 to vector<16xi32>
      %ne3A_122 = arith.cmpi ne, %rem3A_119, %ne3A_121 : vector<16xi32>
      %and3A_123 = arith.andi %ne3A_118, %ne3A_122 : vector<16xi1>
      %sub3A = arith.constant 1 : i32
      %sub3A_124 = vector.broadcast %sub3A : i32 to vector<16xi32>
      %sub3A_125 = arith.subi %div3A_102, %sub3A_124 : vector<16xi32>
      %select_n3A = arith.select %and3A_123, %sub3A_125, %div3A_102 : vector<16xi1>, vector<16xi32>
      %jit3A_126 = arith.constant 112 : i32
      %eq3A = arith.constant 0 : i32
      %eq3A_127 = arith.cmpi eq, %jit3A_126, %eq3A : i32
      %jit3A_128 = arith.constant 1 : i32
      %select_n3A_129 = arith.select %eq3A_127, %jit3A_128, %jit3A_126 : i32
      %rem3A_130 = vector.broadcast %select_n3A_129 : i32 to vector<16xi32>
      %rem3A_131 = arith.remsi %add3A_98, %rem3A_130 : vector<16xi32>
      %ne3A_132 = arith.constant 0 : i32
      %ne3A_133 = vector.broadcast %ne3A_132 : i32 to vector<16xi32>
      %ne3A_134 = arith.cmpi ne, %rem3A_131, %ne3A_133 : vector<16xi32>
      %lt3A_135 = arith.constant 0 : i32
      %lt3A_136 = vector.broadcast %lt3A_135 : i32 to vector<16xi32>
      %lt3A_137 = arith.cmpi slt, %rem3A_131, %lt3A_136 : vector<16xi32>
      %lt3A_138 = arith.constant 0 : i32
      %lt3A_139 = arith.cmpi slt, %select_n3A_129, %lt3A_138 : i32
      %ne3A_140 = vector.broadcast %lt3A_139 : i1 to vector<16xi1>
      %ne3A_141 = vector.broadcast %ne3A_140 : vector<16xi1> to vector<16xi1>
      %ne3A_142 = arith.xori %lt3A_137, %ne3A_141 : vector<16xi1>
      %and3A_143 = arith.andi %ne3A_142, %ne3A_134 : vector<16xi1>
      %add3A_144 = vector.broadcast %select_n3A_129 : i32 to vector<16xi32>
      %add3A_145 = arith.addi %rem3A_131, %add3A_144 : vector<16xi32>
      %select_n3A_146 = arith.select %and3A_143, %add3A_145, %rem3A_131 : vector<16xi1>, vector<16xi32>
      tpu.vector_store_idx %arg9[%select_n3A, %select_n3A_146], %add3A_59 : memref<19x112xi32, #tpu.memory_space<vmem>>[vector<16xi32>, vector<16xi32>], vector<16xi32>,
      %add3A_147 = arith.constant 16 : i32
      %add3A_148 = arith.addi %scan3A_93, %add3A_147 : i32
      %add3A_149 = vector.broadcast %add3A_148 : i32 to vector<16xi32>
      %add3A_150 = arith.addi %add3A_149, %iota3A : vector<16xi32>
      %add3A_151 = arith.constant 16 : i32
      %add3A_152 = vector.broadcast %add3A_151 : i32 to vector<16xi32>
      %add3A_153 = arith.addi %iota3A, %add3A_152 : vector<16xi32>
      tpu.vector_store_idx %arg8[%add3A_150], %add3A_153 : memref<2112xi32, #tpu.memory_space<vmem>>[vector<16xi32>], vector<16xi32>,
      %jit3A_154 = arith.constant 112 : i32
      %div3A_155 = vector.broadcast %jit3A_154 : i32 to vector<16xi32>
      %div3A_156 = arith.divsi %add3A_150, %div3A_155 : vector<16xi32>
      %sign3A_157 = arith.constant 0 : i32
      %sign3A_158 = vector.broadcast %sign3A_157 : i32 to vector<16xi32>
      %sign3A_159 = arith.cmpi sgt, %add3A_150, %sign3A_158 : vector<16xi32>
      %sign3A_160 = arith.extui %sign3A_159 : vector<16xi1> to vector<16xi32>
      %sign3A_161 = arith.constant 0 : i32
      %sign3A_162 = vector.broadcast %sign3A_161 : i32 to vector<16xi32>
      %sign3A_163 = arith.cmpi slt, %add3A_150, %sign3A_162 : vector<16xi32>
      %sign3A_164 = arith.extui %sign3A_163 : vector<16xi1> to vector<16xi32>
      %sign3A_165 = arith.subi %sign3A_160, %sign3A_164 : vector<16xi32>
      %sign3A_166 = arith.constant 0 : i32
      %sign3A_167 = arith.cmpi sgt, %jit3A_154, %sign3A_166 : i32
      %sign3A_168 = arith.extui %sign3A_167 : i1 to i32
      %sign3A_169 = arith.constant 0 : i32
      %sign3A_170 = arith.cmpi slt, %jit3A_154, %sign3A_169 : i32
      %sign3A_171 = arith.extui %sign3A_170 : i1 to i32
      %sign3A_172 = arith.subi %sign3A_168, %sign3A_171 : i32
      %ne3A_173 = vector.broadcast %sign3A_172 : i32 to vector<16xi32>
      %ne3A_174 = arith.cmpi ne, %sign3A_165, %ne3A_173 : vector<16xi32>
      %rem3A_175 = vector.broadcast %jit3A_154 : i32 to vector<16xi32>
      %rem3A_176 = arith.remsi %add3A_150, %rem3A_175 : vector<16xi32>
      %ne3A_177 = arith.constant 0 : i32
      %ne3A_178 = vector.broadcast %ne3A_177 : i32 to vector<16xi32>
      %ne3A_179 = arith.cmpi ne, %rem3A_176, %ne3A_178 : vector<16xi32>
      %and3A_180 = arith.andi %ne3A_174, %ne3A_179 : vector<16xi1>
      %sub3A_181 = arith.constant 1 : i32
      %sub3A_182 = vector.broadcast %sub3A_181 : i32 to vector<16xi32>
      %sub3A_183 = arith.subi %div3A_156, %sub3A_182 : vector<16xi32>
      %select_n3A_184 = arith.select %and3A_180, %sub3A_183, %div3A_156 : vector<16xi1>, vector<16xi32>
      %jit3A_185 = arith.constant 112 : i32
      %eq3A_186 = arith.constant 0 : i32
      %eq3A_187 = arith.cmpi eq, %jit3A_185, %eq3A_186 : i32
      %jit3A_188 = arith.constant 1 : i32
      %select_n3A_189 = arith.select %eq3A_187, %jit3A_188, %jit3A_185 : i32
      %rem3A_190 = vector.broadcast %select_n3A_189 : i32 to vector<16xi32>
      %rem3A_191 = arith.remsi %add3A_150, %rem3A_190 : vector<16xi32>
      %ne3A_192 = arith.constant 0 : i32
      %ne3A_193 = vector.broadcast %ne3A_192 : i32 to vector<16xi32>
      %ne3A_194 = arith.cmpi ne, %rem3A_191, %ne3A_193 : vector<16xi32>
      %lt3A_195 = arith.constant 0 : i32
      %lt3A_196 = vector.broadcast %lt3A_195 : i32 to vector<16xi32>
      %lt3A_197 = arith.cmpi slt, %rem3A_191, %lt3A_196 : vector<16xi32>
      %lt3A_198 = arith.constant 0 : i32
      %lt3A_199 = arith.cmpi slt, %select_n3A_189, %lt3A_198 : i32
      %ne3A_200 = vector.broadcast %lt3A_199 : i1 to vector<16xi1>
      %ne3A_201 = vector.broadcast %ne3A_200 : vector<16xi1> to vector<16xi1>
      %ne3A_202 = arith.xori %lt3A_197, %ne3A_201 : vector<16xi1>
      %and3A_203 = arith.andi %ne3A_202, %ne3A_194 : vector<16xi1>
      %add3A_204 = vector.broadcast %select_n3A_189 : i32 to vector<16xi32>
      %add3A_205 = arith.addi %rem3A_191, %add3A_204 : vector<16xi32>
      %select_n3A_206 = arith.select %and3A_203, %add3A_205, %rem3A_191 : vector<16xi1>, vector<16xi32>
      tpu.vector_store_idx %arg9[%select_n3A_184, %select_n3A_206], %add3A_59 : memref<19x112xi32, #tpu.memory_space<vmem>>[vector<16xi32>, vector<16xi32>], vector<16xi32>,
      %add3A_207 = arith.constant 32 : i32
      %add3A_208 = arith.addi %scan3A_93, %add3A_207 : i32
      %add3A_209 = vector.broadcast %add3A_208 : i32 to vector<16xi32>
      %add3A_210 = arith.addi %add3A_209, %iota3A : vector<16xi32>
      %add3A_211 = arith.constant 32 : i32
      %add3A_212 = vector.broadcast %add3A_211 : i32 to vector<16xi32>
      %add3A_213 = arith.addi %iota3A, %add3A_212 : vector<16xi32>
      tpu.vector_store_idx %arg8[%add3A_210], %add3A_213 : memref<2112xi32, #tpu.memory_space<vmem>>[vector<16xi32>], vector<16xi32>,
      %jit3A_214 = arith.constant 112 : i32
      %div3A_215 = vector.broadcast %jit3A_214 : i32 to vector<16xi32>
      %div3A_216 = arith.divsi %add3A_210, %div3A_215 : vector<16xi32>
      %sign3A_217 = arith.constant 0 : i32
      %sign3A_218 = vector.broadcast %sign3A_217 : i32 to vector<16xi32>
      %sign3A_219 = arith.cmpi sgt, %add3A_210, %sign3A_218 : vector<16xi32>
      %sign3A_220 = arith.extui %sign3A_219 : vector<16xi1> to vector<16xi32>
      %sign3A_221 = arith.constant 0 : i32
      %sign3A_222 = vector.broadcast %sign3A_221 : i32 to vector<16xi32>
      %sign3A_223 = arith.cmpi slt, %add3A_210, %sign3A_222 : vector<16xi32>
      %sign3A_224 = arith.extui %sign3A_223 : vector<16xi1> to vector<16xi32>
      %sign3A_225 = arith.subi %sign3A_220, %sign3A_224 : vector<16xi32>
      %sign3A_226 = arith.constant 0 : i32
      %sign3A_227 = arith.cmpi sgt, %jit3A_214, %sign3A_226 : i32
      %sign3A_228 = arith.extui %sign3A_227 : i1 to i32
      %sign3A_229 = arith.constant 0 : i32
      %sign3A_230 = arith.cmpi slt, %jit3A_214, %sign3A_229 : i32
      %sign3A_231 = arith.extui %sign3A_230 : i1 to i32
      %sign3A_232 = arith.subi %sign3A_228, %sign3A_231 : i32
      %ne3A_233 = vector.broadcast %sign3A_232 : i32 to vector<16xi32>
      %ne3A_234 = arith.cmpi ne, %sign3A_225, %ne3A_233 : vector<16xi32>
      %rem3A_235 = vector.broadcast %jit3A_214 : i32 to vector<16xi32>
      %rem3A_236 = arith.remsi %add3A_210, %rem3A_235 : vector<16xi32>
      %ne3A_237 = arith.constant 0 : i32
      %ne3A_238 = vector.broadcast %ne3A_237 : i32 to vector<16xi32>
      %ne3A_239 = arith.cmpi ne, %rem3A_236, %ne3A_238 : vector<16xi32>
      %and3A_240 = arith.andi %ne3A_234, %ne3A_239 : vector<16xi1>
      %sub3A_241 = arith.constant 1 : i32
      %sub3A_242 = vector.broadcast %sub3A_241 : i32 to vector<16xi32>
      %sub3A_243 = arith.subi %div3A_216, %sub3A_242 : vector<16xi32>
      %select_n3A_244 = arith.select %and3A_240, %sub3A_243, %div3A_216 : vector<16xi1>, vector<16xi32>
      %jit3A_245 = arith.constant 112 : i32
      %eq3A_246 = arith.constant 0 : i32
      %eq3A_247 = arith.cmpi eq, %jit3A_245, %eq3A_246 : i32
      %jit3A_248 = arith.constant 1 : i32
      %select_n3A_249 = arith.select %eq3A_247, %jit3A_248, %jit3A_245 : i32
      %rem3A_250 = vector.broadcast %select_n3A_249 : i32 to vector<16xi32>
      %rem3A_251 = arith.remsi %add3A_210, %rem3A_250 : vector<16xi32>
      %ne3A_252 = arith.constant 0 : i32
      %ne3A_253 = vector.broadcast %ne3A_252 : i32 to vector<16xi32>
      %ne3A_254 = arith.cmpi ne, %rem3A_251, %ne3A_253 : vector<16xi32>
      %lt3A_255 = arith.constant 0 : i32
      %lt3A_256 = vector.broadcast %lt3A_255 : i32 to vector<16xi32>
      %lt3A_257 = arith.cmpi slt, %rem3A_251, %lt3A_256 : vector<16xi32>
      %lt3A_258 = arith.constant 0 : i32
      %lt3A_259 = arith.cmpi slt, %select_n3A_249, %lt3A_258 : i32
      %ne3A_260 = vector.broadcast %lt3A_259 : i1 to vector<16xi1>
      %ne3A_261 = vector.broadcast %ne3A_260 : vector<16xi1> to vector<16xi1>
      %ne3A_262 = arith.xori %lt3A_257, %ne3A_261 : vector<16xi1>
      %and3A_263 = arith.andi %ne3A_262, %ne3A_254 : vector<16xi1>
      %add3A_264 = vector.broadcast %select_n3A_249 : i32 to vector<16xi32>
      %add3A_265 = arith.addi %rem3A_251, %add3A_264 : vector<16xi32>
      %select_n3A_266 = arith.select %and3A_263, %add3A_265, %rem3A_251 : vector<16xi1>, vector<16xi32>
      tpu.vector_store_idx %arg9[%select_n3A_244, %select_n3A_266], %add3A_59 : memref<19x112xi32, #tpu.memory_space<vmem>>[vector<16xi32>, vector<16xi32>], vector<16xi32>,
      %add3A_267 = arith.constant 48 : i32
      %add3A_268 = arith.addi %scan3A_93, %add3A_267 : i32
      %add3A_269 = vector.broadcast %add3A_268 : i32 to vector<16xi32>
      %add3A_270 = arith.addi %add3A_269, %iota3A : vector<16xi32>
      %add3A_271 = arith.constant 48 : i32
      %add3A_272 = vector.broadcast %add3A_271 : i32 to vector<16xi32>
      %add3A_273 = arith.addi %iota3A, %add3A_272 : vector<16xi32>
      tpu.vector_store_idx %arg8[%add3A_270], %add3A_273 : memref<2112xi32, #tpu.memory_space<vmem>>[vector<16xi32>], vector<16xi32>,
      %jit3A_274 = arith.constant 112 : i32
      %div3A_275 = vector.broadcast %jit3A_274 : i32 to vector<16xi32>
      %div3A_276 = arith.divsi %add3A_270, %div3A_275 : vector<16xi32>
      %sign3A_277 = arith.constant 0 : i32
      %sign3A_278 = vector.broadcast %sign3A_277 : i32 to vector<16xi32>
      %sign3A_279 = arith.cmpi sgt, %add3A_270, %sign3A_278 : vector<16xi32>
      %sign3A_280 = arith.extui %sign3A_279 : vector<16xi1> to vector<16xi32>
      %sign3A_281 = arith.constant 0 : i32
      %sign3A_282 = vector.broadcast %sign3A_281 : i32 to vector<16xi32>
      %sign3A_283 = arith.cmpi slt, %add3A_270, %sign3A_282 : vector<16xi32>
      %sign3A_284 = arith.extui %sign3A_283 : vector<16xi1> to vector<16xi32>
      %sign3A_285 = arith.subi %sign3A_280, %sign3A_284 : vector<16xi32>
      %sign3A_286 = arith.constant 0 : i32
      %sign3A_287 = arith.cmpi sgt, %jit3A_274, %sign3A_286 : i32
      %sign3A_288 = arith.extui %sign3A_287 : i1 to i32
      %sign3A_289 = arith.constant 0 : i32
      %sign3A_290 = arith.cmpi slt, %jit3A_274, %sign3A_289 : i32
      %sign3A_291 = arith.extui %sign3A_290 : i1 to i32
      %sign3A_292 = arith.subi %sign3A_288, %sign3A_291 : i32
      %ne3A_293 = vector.broadcast %sign3A_292 : i32 to vector<16xi32>
      %ne3A_294 = arith.cmpi ne, %sign3A_285, %ne3A_293 : vector<16xi32>
      %rem3A_295 = vector.broadcast %jit3A_274 : i32 to vector<16xi32>
      %rem3A_296 = arith.remsi %add3A_270, %rem3A_295 : vector<16xi32>
      %ne3A_297 = arith.constant 0 : i32
      %ne3A_298 = vector.broadcast %ne3A_297 : i32 to vector<16xi32>
      %ne3A_299 = arith.cmpi ne, %rem3A_296, %ne3A_298 : vector<16xi32>
      %and3A_300 = arith.andi %ne3A_294, %ne3A_299 : vector<16xi1>
      %sub3A_301 = arith.constant 1 : i32
      %sub3A_302 = vector.broadcast %sub3A_301 : i32 to vector<16xi32>
      %sub3A_303 = arith.subi %div3A_276, %sub3A_302 : vector<16xi32>
      %select_n3A_304 = arith.select %and3A_300, %sub3A_303, %div3A_276 : vector<16xi1>, vector<16xi32>
      %jit3A_305 = arith.constant 112 : i32
      %eq3A_306 = arith.constant 0 : i32
      %eq3A_307 = arith.cmpi eq, %jit3A_305, %eq3A_306 : i32
      %jit3A_308 = arith.constant 1 : i32
      %select_n3A_309 = arith.select %eq3A_307, %jit3A_308, %jit3A_305 : i32
      %rem3A_310 = vector.broadcast %select_n3A_309 : i32 to vector<16xi32>
      %rem3A_311 = arith.remsi %add3A_270, %rem3A_310 : vector<16xi32>
      %ne3A_312 = arith.constant 0 : i32
      %ne3A_313 = vector.broadcast %ne3A_312 : i32 to vector<16xi32>
      %ne3A_314 = arith.cmpi ne, %rem3A_311, %ne3A_313 : vector<16xi32>
      %lt3A_315 = arith.constant 0 : i32
      %lt3A_316 = vector.broadcast %lt3A_315 : i32 to vector<16xi32>
      %lt3A_317 = arith.cmpi slt, %rem3A_311, %lt3A_316 : vector<16xi32>
      %lt3A_318 = arith.constant 0 : i32
      %lt3A_319 = arith.cmpi slt, %select_n3A_309, %lt3A_318 : i32
      %ne3A_320 = vector.broadcast %lt3A_319 : i1 to vector<16xi1>
      %ne3A_321 = vector.broadcast %ne3A_320 : vector<16xi1> to vector<16xi1>
      %ne3A_322 = arith.xori %lt3A_317, %ne3A_321 : vector<16xi1>
      %and3A_323 = arith.andi %ne3A_322, %ne3A_314 : vector<16xi1>
      %add3A_324 = vector.broadcast %select_n3A_309 : i32 to vector<16xi32>
      %add3A_325 = arith.addi %rem3A_311, %add3A_324 : vector<16xi32>
      %select_n3A_326 = arith.select %and3A_323, %add3A_325, %rem3A_311 : vector<16xi1>, vector<16xi32>
      tpu.vector_store_idx %arg9[%select_n3A_304, %select_n3A_326], %add3A_59 : memref<19x112xi32, #tpu.memory_space<vmem>>[vector<16xi32>, vector<16xi32>], vector<16xi32>,
      %add3A_327 = arith.constant 64 : i32
      %add3A_328 = arith.addi %scan3A_93, %add3A_327 : i32
      %add3A_329 = vector.broadcast %add3A_328 : i32 to vector<16xi32>
      %add3A_330 = arith.addi %add3A_329, %iota3A : vector<16xi32>
      %add3A_331 = arith.constant 64 : i32
      %add3A_332 = vector.broadcast %add3A_331 : i32 to vector<16xi32>
      %add3A_333 = arith.addi %iota3A, %add3A_332 : vector<16xi32>
      tpu.vector_store_idx %arg8[%add3A_330], %add3A_333 : memref<2112xi32, #tpu.memory_space<vmem>>[vector<16xi32>], vector<16xi32>,
      %jit3A_334 = arith.constant 112 : i32
      %div3A_335 = vector.broadcast %jit3A_334 : i32 to vector<16xi32>
      %div3A_336 = arith.divsi %add3A_330, %div3A_335 : vector<16xi32>
      %sign3A_337 = arith.constant 0 : i32
      %sign3A_338 = vector.broadcast %sign3A_337 : i32 to vector<16xi32>
      %sign3A_339 = arith.cmpi sgt, %add3A_330, %sign3A_338 : vector<16xi32>
      %sign3A_340 = arith.extui %sign3A_339 : vector<16xi1> to vector<16xi32>
      %sign3A_341 = arith.constant 0 : i32
      %sign3A_342 = vector.broadcast %sign3A_341 : i32 to vector<16xi32>
      %sign3A_343 = arith.cmpi slt, %add3A_330, %sign3A_342 : vector<16xi32>
      %sign3A_344 = arith.extui %sign3A_343 : vector<16xi1> to vector<16xi32>
      %sign3A_345 = arith.subi %sign3A_340, %sign3A_344 : vector<16xi32>
      %sign3A_346 = arith.constant 0 : i32
      %sign3A_347 = arith.cmpi sgt, %jit3A_334, %sign3A_346 : i32
      %sign3A_348 = arith.extui %sign3A_347 : i1 to i32
      %sign3A_349 = arith.constant 0 : i32
      %sign3A_350 = arith.cmpi slt, %jit3A_334, %sign3A_349 : i32
      %sign3A_351 = arith.extui %sign3A_350 : i1 to i32
      %sign3A_352 = arith.subi %sign3A_348, %sign3A_351 : i32
      %ne3A_353 = vector.broadcast %sign3A_352 : i32 to vector<16xi32>
      %ne3A_354 = arith.cmpi ne, %sign3A_345, %ne3A_353 : vector<16xi32>
      %rem3A_355 = vector.broadcast %jit3A_334 : i32 to vector<16xi32>
      %rem3A_356 = arith.remsi %add3A_330, %rem3A_355 : vector<16xi32>
      %ne3A_357 = arith.constant 0 : i32
      %ne3A_358 = vector.broadcast %ne3A_357 : i32 to vector<16xi32>
      %ne3A_359 = arith.cmpi ne, %rem3A_356, %ne3A_358 : vector<16xi32>
      %and3A_360 = arith.andi %ne3A_354, %ne3A_359 : vector<16xi1>
      %sub3A_361 = arith.constant 1 : i32
      %sub3A_362 = vector.broadcast %sub3A_361 : i32 to vector<16xi32>
      %sub3A_363 = arith.subi %div3A_336, %sub3A_362 : vector<16xi32>
      %select_n3A_364 = arith.select %and3A_360, %sub3A_363, %div3A_336 : vector<16xi1>, vector<16xi32>
      %jit3A_365 = arith.constant 112 : i32
      %eq3A_366 = arith.constant 0 : i32
      %eq3A_367 = arith.cmpi eq, %jit3A_365, %eq3A_366 : i32
      %jit3A_368 = arith.constant 1 : i32
      %select_n3A_369 = arith.select %eq3A_367, %jit3A_368, %jit3A_365 : i32
      %rem3A_370 = vector.broadcast %select_n3A_369 : i32 to vector<16xi32>
      %rem3A_371 = arith.remsi %add3A_330, %rem3A_370 : vector<16xi32>
      %ne3A_372 = arith.constant 0 : i32
      %ne3A_373 = vector.broadcast %ne3A_372 : i32 to vector<16xi32>
      %ne3A_374 = arith.cmpi ne, %rem3A_371, %ne3A_373 : vector<16xi32>
      %lt3A_375 = arith.constant 0 : i32
      %lt3A_376 = vector.broadcast %lt3A_375 : i32 to vector<16xi32>
      %lt3A_377 = arith.cmpi slt, %rem3A_371, %lt3A_376 : vector<16xi32>
      %lt3A_378 = arith.constant 0 : i32
      %lt3A_379 = arith.cmpi slt, %select_n3A_369, %lt3A_378 : i32
      %ne3A_380 = vector.broadcast %lt3A_379 : i1 to vector<16xi1>
      %ne3A_381 = vector.broadcast %ne3A_380 : vector<16xi1> to vector<16xi1>
      %ne3A_382 = arith.xori %lt3A_377, %ne3A_381 : vector<16xi1>
      %and3A_383 = arith.andi %ne3A_382, %ne3A_374 : vector<16xi1>
      %add3A_384 = vector.broadcast %select_n3A_369 : i32 to vector<16xi32>
      %add3A_385 = arith.addi %rem3A_371, %add3A_384 : vector<16xi32>
      %select_n3A_386 = arith.select %and3A_383, %add3A_385, %rem3A_371 : vector<16xi1>, vector<16xi32>
      tpu.vector_store_idx %arg9[%select_n3A_364, %select_n3A_386], %add3A_59 : memref<19x112xi32, #tpu.memory_space<vmem>>[vector<16xi32>, vector<16xi32>], vector<16xi32>,
      %add3A_387 = arith.constant 80 : i32
      %add3A_388 = arith.addi %scan3A_93, %add3A_387 : i32
      %add3A_389 = vector.broadcast %add3A_388 : i32 to vector<16xi32>
      %add3A_390 = arith.addi %add3A_389, %iota3A : vector<16xi32>
      %add3A_391 = arith.constant 80 : i32
      %add3A_392 = vector.broadcast %add3A_391 : i32 to vector<16xi32>
      %add3A_393 = arith.addi %iota3A, %add3A_392 : vector<16xi32>
      tpu.vector_store_idx %arg8[%add3A_390], %add3A_393 : memref<2112xi32, #tpu.memory_space<vmem>>[vector<16xi32>], vector<16xi32>,
      %jit3A_394 = arith.constant 112 : i32
      %div3A_395 = vector.broadcast %jit3A_394 : i32 to vector<16xi32>
      %div3A_396 = arith.divsi %add3A_390, %div3A_395 : vector<16xi32>
      %sign3A_397 = arith.constant 0 : i32
      %sign3A_398 = vector.broadcast %sign3A_397 : i32 to vector<16xi32>
      %sign3A_399 = arith.cmpi sgt, %add3A_390, %sign3A_398 : vector<16xi32>
      %sign3A_400 = arith.extui %sign3A_399 : vector<16xi1> to vector<16xi32>
      %sign3A_401 = arith.constant 0 : i32
      %sign3A_402 = vector.broadcast %sign3A_401 : i32 to vector<16xi32>
      %sign3A_403 = arith.cmpi slt, %add3A_390, %sign3A_402 : vector<16xi32>
      %sign3A_404 = arith.extui %sign3A_403 : vector<16xi1> to vector<16xi32>
      %sign3A_405 = arith.subi %sign3A_400, %sign3A_404 : vector<16xi32>
      %sign3A_406 = arith.constant 0 : i32
      %sign3A_407 = arith.cmpi sgt, %jit3A_394, %sign3A_406 : i32
      %sign3A_408 = arith.extui %sign3A_407 : i1 to i32
      %sign3A_409 = arith.constant 0 : i32
      %sign3A_410 = arith.cmpi slt, %jit3A_394, %sign3A_409 : i32
      %sign3A_411 = arith.extui %sign3A_410 : i1 to i32
      %sign3A_412 = arith.subi %sign3A_408, %sign3A_411 : i32
      %ne3A_413 = vector.broadcast %sign3A_412 : i32 to vector<16xi32>
      %ne3A_414 = arith.cmpi ne, %sign3A_405, %ne3A_413 : vector<16xi32>
      %rem3A_415 = vector.broadcast %jit3A_394 : i32 to vector<16xi32>
      %rem3A_416 = arith.remsi %add3A_390, %rem3A_415 : vector<16xi32>
      %ne3A_417 = arith.constant 0 : i32
      %ne3A_418 = vector.broadcast %ne3A_417 : i32 to vector<16xi32>
      %ne3A_419 = arith.cmpi ne, %rem3A_416, %ne3A_418 : vector<16xi32>
      %and3A_420 = arith.andi %ne3A_414, %ne3A_419 : vector<16xi1>
      %sub3A_421 = arith.constant 1 : i32
      %sub3A_422 = vector.broadcast %sub3A_421 : i32 to vector<16xi32>
      %sub3A_423 = arith.subi %div3A_396, %sub3A_422 : vector<16xi32>
      %select_n3A_424 = arith.select %and3A_420, %sub3A_423, %div3A_396 : vector<16xi1>, vector<16xi32>
      %jit3A_425 = arith.constant 112 : i32
      %eq3A_426 = arith.constant 0 : i32
      %eq3A_427 = arith.cmpi eq, %jit3A_425, %eq3A_426 : i32
      %jit3A_428 = arith.constant 1 : i32
      %select_n3A_429 = arith.select %eq3A_427, %jit3A_428, %jit3A_425 : i32
      %rem3A_430 = vector.broadcast %select_n3A_429 : i32 to vector<16xi32>
      %rem3A_431 = arith.remsi %add3A_390, %rem3A_430 : vector<16xi32>
      %ne3A_432 = arith.constant 0 : i32
      %ne3A_433 = vector.broadcast %ne3A_432 : i32 to vector<16xi32>
      %ne3A_434 = arith.cmpi ne, %rem3A_431, %ne3A_433 : vector<16xi32>
      %lt3A_435 = arith.constant 0 : i32
      %lt3A_436 = vector.broadcast %lt3A_435 : i32 to vector<16xi32>
      %lt3A_437 = arith.cmpi slt, %rem3A_431, %lt3A_436 : vector<16xi32>
      %lt3A_438 = arith.constant 0 : i32
      %lt3A_439 = arith.cmpi slt, %select_n3A_429, %lt3A_438 : i32
      %ne3A_440 = vector.broadcast %lt3A_439 : i1 to vector<16xi1>
      %ne3A_441 = vector.broadcast %ne3A_440 : vector<16xi1> to vector<16xi1>
      %ne3A_442 = arith.xori %lt3A_437, %ne3A_441 : vector<16xi1>
      %and3A_443 = arith.andi %ne3A_442, %ne3A_434 : vector<16xi1>
      %add3A_444 = vector.broadcast %select_n3A_429 : i32 to vector<16xi32>
      %add3A_445 = arith.addi %rem3A_431, %add3A_444 : vector<16xi32>
      %select_n3A_446 = arith.select %and3A_443, %add3A_445, %rem3A_431 : vector<16xi1>, vector<16xi32>
      tpu.vector_store_idx %arg9[%select_n3A_424, %select_n3A_446], %add3A_59 : memref<19x112xi32, #tpu.memory_space<vmem>>[vector<16xi32>, vector<16xi32>], vector<16xi32>,
      %add3A_447 = arith.constant 96 : i32
      %add3A_448 = arith.addi %scan3A_93, %add3A_447 : i32
      %add3A_449 = vector.broadcast %add3A_448 : i32 to vector<16xi32>
      %add3A_450 = arith.addi %add3A_449, %iota3A : vector<16xi32>
      %add3A_451 = arith.constant 96 : i32
      %add3A_452 = vector.broadcast %add3A_451 : i32 to vector<16xi32>
      %add3A_453 = arith.addi %iota3A, %add3A_452 : vector<16xi32>
      tpu.vector_store_idx %arg8[%add3A_450], %add3A_453 : memref<2112xi32, #tpu.memory_space<vmem>>[vector<16xi32>], vector<16xi32>,
      %jit3A_454 = arith.constant 112 : i32
      %div3A_455 = vector.broadcast %jit3A_454 : i32 to vector<16xi32>
      %div3A_456 = arith.divsi %add3A_450, %div3A_455 : vector<16xi32>
      %sign3A_457 = arith.constant 0 : i32
      %sign3A_458 = vector.broadcast %sign3A_457 : i32 to vector<16xi32>
      %sign3A_459 = arith.cmpi sgt, %add3A_450, %sign3A_458 : vector<16xi32>
      %sign3A_460 = arith.extui %sign3A_459 : vector<16xi1> to vector<16xi32>
      %sign3A_461 = arith.constant 0 : i32
      %sign3A_462 = vector.broadcast %sign3A_461 : i32 to vector<16xi32>
      %sign3A_463 = arith.cmpi slt, %add3A_450, %sign3A_462 : vector<16xi32>
      %sign3A_464 = arith.extui %sign3A_463 : vector<16xi1> to vector<16xi32>
      %sign3A_465 = arith.subi %sign3A_460, %sign3A_464 : vector<16xi32>
      %sign3A_466 = arith.constant 0 : i32
      %sign3A_467 = arith.cmpi sgt, %jit3A_454, %sign3A_466 : i32
      %sign3A_468 = arith.extui %sign3A_467 : i1 to i32
      %sign3A_469 = arith.constant 0 : i32
      %sign3A_470 = arith.cmpi slt, %jit3A_454, %sign3A_469 : i32
      %sign3A_471 = arith.extui %sign3A_470 : i1 to i32
      %sign3A_472 = arith.subi %sign3A_468, %sign3A_471 : i32
      %ne3A_473 = vector.broadcast %sign3A_472 : i32 to vector<16xi32>
      %ne3A_474 = arith.cmpi ne, %sign3A_465, %ne3A_473 : vector<16xi32>
      %rem3A_475 = vector.broadcast %jit3A_454 : i32 to vector<16xi32>
      %rem3A_476 = arith.remsi %add3A_450, %rem3A_475 : vector<16xi32>
      %ne3A_477 = arith.constant 0 : i32
      %ne3A_478 = vector.broadcast %ne3A_477 : i32 to vector<16xi32>
      %ne3A_479 = arith.cmpi ne, %rem3A_476, %ne3A_478 : vector<16xi32>
      %and3A_480 = arith.andi %ne3A_474, %ne3A_479 : vector<16xi1>
      %sub3A_481 = arith.constant 1 : i32
      %sub3A_482 = vector.broadcast %sub3A_481 : i32 to vector<16xi32>
      %sub3A_483 = arith.subi %div3A_456, %sub3A_482 : vector<16xi32>
      %select_n3A_484 = arith.select %and3A_480, %sub3A_483, %div3A_456 : vector<16xi1>, vector<16xi32>
      %jit3A_485 = arith.constant 112 : i32
      %eq3A_486 = arith.constant 0 : i32
      %eq3A_487 = arith.cmpi eq, %jit3A_485, %eq3A_486 : i32
      %jit3A_488 = arith.constant 1 : i32
      %select_n3A_489 = arith.select %eq3A_487, %jit3A_488, %jit3A_485 : i32
      %rem3A_490 = vector.broadcast %select_n3A_489 : i32 to vector<16xi32>
      %rem3A_491 = arith.remsi %add3A_450, %rem3A_490 : vector<16xi32>
      %ne3A_492 = arith.constant 0 : i32
      %ne3A_493 = vector.broadcast %ne3A_492 : i32 to vector<16xi32>
      %ne3A_494 = arith.cmpi ne, %rem3A_491, %ne3A_493 : vector<16xi32>
      %lt3A_495 = arith.constant 0 : i32
      %lt3A_496 = vector.broadcast %lt3A_495 : i32 to vector<16xi32>
      %lt3A_497 = arith.cmpi slt, %rem3A_491, %lt3A_496 : vector<16xi32>
      %lt3A_498 = arith.constant 0 : i32
      %lt3A_499 = arith.cmpi slt, %select_n3A_489, %lt3A_498 : i32
      %ne3A_500 = vector.broadcast %lt3A_499 : i1 to vector<16xi1>
      %ne3A_501 = vector.broadcast %ne3A_500 : vector<16xi1> to vector<16xi1>
      %ne3A_502 = arith.xori %lt3A_497, %ne3A_501 : vector<16xi1>
      %and3A_503 = arith.andi %ne3A_502, %ne3A_494 : vector<16xi1>
      %add3A_504 = vector.broadcast %select_n3A_489 : i32 to vector<16xi32>
      %add3A_505 = arith.addi %rem3A_491, %add3A_504 : vector<16xi32>
      %select_n3A_506 = arith.select %and3A_503, %add3A_505, %rem3A_491 : vector<16xi1>, vector<16xi32>
      tpu.vector_store_idx %arg9[%select_n3A_484, %select_n3A_506], %add3A_59 : memref<19x112xi32, #tpu.memory_space<vmem>>[vector<16xi32>, vector<16xi32>], vector<16xi32>,
      %add3A_507 = arith.constant 111 : i32
      %add3A_508 = arith.addi %scan3A_93, %add3A_507 : i32
      %jit3A_509 = arith.constant 112 : i32
      %div3A_510 = arith.divsi %add3A_508, %jit3A_509 : i32
      %sign3A_511 = arith.constant 0 : i32
      %sign3A_512 = arith.cmpi sgt, %add3A_508, %sign3A_511 : i32
      %sign3A_513 = arith.extui %sign3A_512 : i1 to i32
      %sign3A_514 = arith.constant 0 : i32
      %sign3A_515 = arith.cmpi slt, %add3A_508, %sign3A_514 : i32
      %sign3A_516 = arith.extui %sign3A_515 : i1 to i32
      %sign3A_517 = arith.subi %sign3A_513, %sign3A_516 : i32
      %sign3A_518 = arith.constant 0 : i32
      %sign3A_519 = arith.cmpi sgt, %jit3A_509, %sign3A_518 : i32
      %sign3A_520 = arith.extui %sign3A_519 : i1 to i32
      %sign3A_521 = arith.constant 0 : i32
      %sign3A_522 = arith.cmpi slt, %jit3A_509, %sign3A_521 : i32
      %sign3A_523 = arith.extui %sign3A_522 : i1 to i32
      %sign3A_524 = arith.subi %sign3A_520, %sign3A_523 : i32
      %ne3A_525 = arith.cmpi ne, %sign3A_517, %sign3A_524 : i32
      %rem3A_526 = arith.remsi %add3A_508, %jit3A_509 : i32
      %ne3A_527 = arith.constant 0 : i32
      %ne3A_528 = arith.cmpi ne, %rem3A_526, %ne3A_527 : i32
      %and3A_529 = arith.andi %ne3A_525, %ne3A_528 : i1
      %sub3A_530 = arith.constant 1 : i32
      %sub3A_531 = arith.subi %div3A_510, %sub3A_530 : i32
      %select_n3A_532 = arith.select %and3A_529, %sub3A_531, %div3A_510 : i32
      %gt3A = arith.constant 0 : i32
      %gt3A_533 = arith.cmpi sgt, %select_n3A_532, %gt3A : i32
      %convert_element_type3A_534 = arith.extui %gt3A_533 : i1 to i32
      %cond3A_535 = arith.constant 0 : i32
      %cond3A_536 = arith.cmpi ne, %convert_element_type3A_534, %cond3A_535 : i32
      scf.if %cond3A_536 {
        %dma_start3A_580 = arith.constant 0 : i32
        %dma_start3A_581 = tpu.memref_slice %arg8[%dma_start3A_580] : memref<2112xi32, #tpu.memory_space<vmem>> -> memref<112xi32, #tpu.memory_space<vmem>>
        %dma_start3A_582 = arith.constant 0 : i32
        %dma_start3A_583 = arith.constant 0 : i32
        %dma_start3A_584 = tpu.memref_slice %arg2[%dma_start3A_582, %dma_start3A_583] : memref<10000x128xf32, #tpu.memory_space<hbm>> -> memref<10000x128xf32, #tpu.memory_space<hbm>>
        tpu.enqueue_indirect_dma source(%dma_start3A_584 : memref<10000x128xf32, #tpu.memory_space<hbm>>) target(%arg13 : memref<112x128xf32, #tpu.memory_space<vmem>>) offsets(%dma_start3A_581 : memref<112xi32, #tpu.memory_space<vmem>>) semaphore(%arg20 : memref<!tpu.dma_semaphore, #tpu.memory_space<semaphore_mem>>)
      } else {
      }
      %gt3A_537 = arith.constant 1 : i32
      %gt3A_538 = arith.cmpi sgt, %select_n3A_532, %gt3A_537 : i32
      %convert_element_type3A_539 = arith.extui %gt3A_538 : i1 to i32
      %cond3A_540 = arith.constant 0 : i32
      %cond3A_541 = arith.cmpi ne, %convert_element_type3A_539, %cond3A_540 : i32
      scf.if %cond3A_541 {
        %dma_start3A_580 = arith.constant 112 : i32
        %dma_start3A_581 = tpu.memref_slice %arg8[%dma_start3A_580] : memref<2112xi32, #tpu.memory_space<vmem>> -> memref<112xi32, #tpu.memory_space<vmem>>
        %dma_start3A_582 = arith.constant 0 : i32
        %dma_start3A_583 = arith.constant 0 : i32
        %dma_start3A_584 = tpu.memref_slice %arg2[%dma_start3A_582, %dma_start3A_583] : memref<10000x128xf32, #tpu.memory_space<hbm>> -> memref<10000x128xf32, #tpu.memory_space<hbm>>
        tpu.enqueue_indirect_dma source(%dma_start3A_584 : memref<10000x128xf32, #tpu.memory_space<hbm>>) target(%arg14 : memref<112x128xf32, #tpu.memory_space<vmem>>) offsets(%dma_start3A_581 : memref<112xi32, #tpu.memory_space<vmem>>) semaphore(%arg21 : memref<!tpu.dma_semaphore, #tpu.memory_space<semaphore_mem>>)
      } else {
      }
      %add3A_542 = arith.constant 1 : i32
      %add3A_543 = arith.addi %select_n3A_532, %add3A_542 : i32
      %jit3A_544 = arith.constant 2 : i32
      %div3A_545 = arith.divsi %add3A_543, %jit3A_544 : i32
      %sign3A_546 = arith.constant 0 : i32
      %sign3A_547 = arith.cmpi sgt, %add3A_543, %sign3A_546 : i32
      %sign3A_548 = arith.extui %sign3A_547 : i1 to i32
      %sign3A_549 = arith.constant 0 : i32
      %sign3A_550 = arith.cmpi slt, %add3A_543, %sign3A_549 : i32
      %sign3A_551 = arith.extui %sign3A_550 : i1 to i32
      %sign3A_552 = arith.subi %sign3A_548, %sign3A_551 : i32
      %sign3A_553 = arith.constant 0 : i32
      %sign3A_554 = arith.cmpi sgt, %jit3A_544, %sign3A_553 : i32
      %sign3A_555 = arith.extui %sign3A_554 : i1 to i32
      %sign3A_556 = arith.constant 0 : i32
      %sign3A_557 = arith.cmpi slt, %jit3A_544, %sign3A_556 : i32
      %sign3A_558 = arith.extui %sign3A_557 : i1 to i32
      %sign3A_559 = arith.subi %sign3A_555, %sign3A_558 : i32
      %ne3A_560 = arith.cmpi ne, %sign3A_552, %sign3A_559 : i32
      %rem3A_561 = arith.remsi %add3A_543, %jit3A_544 : i32
      %ne3A_562 = arith.constant 0 : i32
      %ne3A_563 = arith.cmpi ne, %rem3A_561, %ne3A_562 : i32
      %and3A_564 = arith.andi %ne3A_560, %ne3A_563 : i1
      %sub3A_565 = arith.constant 1 : i32
      %sub3A_566 = arith.subi %div3A_545, %sub3A_565 : i32
      %select_n3A_567 = arith.select %and3A_564, %sub3A_566, %div3A_545 : i32
      %while3A = arith.constant 0 : i32
      %while3A_568 = arith.constant 0 : i32
      %while3A_569 = arith.subi %select_n3A_567, %while3A : i32
      %while3A_570 = arith.addi %while3A, %while3A_569 : i32
      %while3A_571 = arith.constant 1 : i32
      %while3A_572 = arith.divsi %while3A_569, %while3A_571 : i32
      %while3A_573 = arith.muli %while3A_572, %while3A_571 : i32
      %while3A_574 = arith.addi %while3A, %while3A_573 : i32
      %while3A_575 = arith.constant 1 : i32
      %while3A_576 = scf.for %while3A_580 = %while3A to %while3A_574 step %while3A_575 iter_args(%while3A_581 = %while3A_568) -> (i32)  : i32 {
        %mul3A_582 = arith.constant 2 : i32
        %mul3A_583 = arith.muli %mul3A_582, %while3A_580 : i32
        %dma_wait3A_584 = arith.constant 0 : i32
        %dma_wait3A_585 = tpu.memref_slice %arg8[%dma_wait3A_584] : memref<2112xi32, #tpu.memory_space<vmem>> -> memref<112xi32, #tpu.memory_space<vmem>>
        %dma_wait3A_586 = arith.constant 0 : i32
        %dma_wait3A_587 = arith.constant 0 : i32
        %dma_wait3A_588 = tpu.memref_slice %arg2[%dma_wait3A_586, %dma_wait3A_587] : memref<10000x128xf32, #tpu.memory_space<hbm>> -> memref<10000x128xf32, #tpu.memory_space<hbm>>
        tpu.wait_indirect_dma semaphore(%arg20 : memref<!tpu.dma_semaphore, #tpu.memory_space<semaphore_mem>>) src(%dma_wait3A_588 : memref<10000x128xf32, #tpu.memory_space<hbm>>) dst(%arg13 : memref<112x128xf32, #tpu.memory_space<vmem>>)
        "tpu.region"() ({
          %run_scoped3A = tpu.sem_alloc : memref<!tpu.dma_semaphore, #tpu.memory_space<semaphore_mem>>
          %dma_start3A_608 = arith.constant 0 : i32
          %dma_start3A_609 = tpu.memref_slice %arg9[%mul3A_583, %dma_start3A_608] : memref<19x112xi32, #tpu.memory_space<vmem>> -> memref<1x112xi32, #tpu.memory_space<vmem>>
          %dma_start3A_610 = tpu.memref_squeeze %dma_start3A_609 : memref<1x112xi32, #tpu.memory_space<vmem>> -> memref<112xi32, #tpu.memory_space<vmem>>
          %dma_start3A_611 = arith.constant 0 : i32
          %dma_start3A_612 = arith.constant 0 : i32
          %dma_start3A_613 = tpu.memref_slice %arg18[%dma_start3A_611, %dma_start3A_612] : memref<10240x128xf32, #tpu.memory_space<vmem_shared>> -> memref<10240x128xf32, #tpu.memory_space<vmem_shared>>
          tpu.enqueue_indirect_dma source(%arg13 : memref<112x128xf32, #tpu.memory_space<vmem>>) target(%dma_start3A_613 : memref<10240x128xf32, #tpu.memory_space<vmem_shared>>) offsets(%dma_start3A_610 : memref<112xi32, #tpu.memory_space<vmem>>) semaphore(%run_scoped3A : memref<!tpu.dma_semaphore, #tpu.memory_space<semaphore_mem>>) {add = true}
          %dma_wait3A_614 = arith.constant 0 : i32
          %dma_wait3A_615 = tpu.memref_slice %arg9[%mul3A_583, %dma_wait3A_614] : memref<19x112xi32, #tpu.memory_space<vmem>> -> memref<1x112xi32, #tpu.memory_space<vmem>>
          %dma_wait3A_616 = tpu.memref_squeeze %dma_wait3A_615 : memref<1x112xi32, #tpu.memory_space<vmem>> -> memref<112xi32, #tpu.memory_space<vmem>>
          %dma_wait3A_617 = arith.constant 0 : i32
          %dma_wait3A_618 = arith.constant 0 : i32
          %dma_wait3A_619 = tpu.memref_slice %arg18[%dma_wait3A_617, %dma_wait3A_618] : memref<10240x128xf32, #tpu.memory_space<vmem_shared>> -> memref<10240x128xf32, #tpu.memory_space<vmem_shared>>
          tpu.wait_indirect_dma semaphore(%run_scoped3A : memref<!tpu.dma_semaphore, #tpu.memory_space<semaphore_mem>>) src(%arg13 : memref<112x128xf32, #tpu.memory_space<vmem>>) dst(%dma_wait3A_619 : memref<10240x128xf32, #tpu.memory_space<vmem_shared>>)
          tpu.yield
        }) : () -> ()
        "tpu.region"() ({
          %run_scoped3A = tpu.sem_alloc : memref<!tpu.dma_semaphore, #tpu.memory_space<semaphore_mem>>
          %dma_start3A_608 = arith.constant 0 : i32
          %dma_start3A_609 = tpu.memref_slice %arg9[%mul3A_583, %dma_start3A_608] : memref<19x112xi32, #tpu.memory_space<vmem>> -> memref<1x112xi32, #tpu.memory_space<vmem>>
          %dma_start3A_610 = tpu.memref_squeeze %dma_start3A_609 : memref<1x112xi32, #tpu.memory_space<vmem>> -> memref<112xi32, #tpu.memory_space<vmem>>
          %dma_start3A_611 = arith.constant 0 : i32
          %dma_start3A_612 = tpu.memref_slice %arg19[%dma_start3A_611] : memref<10240xf32, #tpu.memory_space<vmem_shared>> -> memref<10240xf32, #tpu.memory_space<vmem_shared>>
          tpu.enqueue_indirect_dma source(%arg15 : memref<112xf32, #tpu.memory_space<vmem>>) target(%dma_start3A_612 : memref<10240xf32, #tpu.memory_space<vmem_shared>>) offsets(%dma_start3A_610 : memref<112xi32, #tpu.memory_space<vmem>>) semaphore(%run_scoped3A : memref<!tpu.dma_semaphore, #tpu.memory_space<semaphore_mem>>) {add = true}
          %dma_wait3A_613 = arith.constant 0 : i32
          %dma_wait3A_614 = tpu.memref_slice %arg9[%mul3A_583, %dma_wait3A_613] : memref<19x112xi32, #tpu.memory_space<vmem>> -> memref<1x112xi32, #tpu.memory_space<vmem>>
          %dma_wait3A_615 = tpu.memref_squeeze %dma_wait3A_614 : memref<1x112xi32, #tpu.memory_space<vmem>> -> memref<112xi32, #tpu.memory_space<vmem>>
          %dma_wait3A_616 = arith.constant 0 : i32
          %dma_wait3A_617 = tpu.memref_slice %arg19[%dma_wait3A_616] : memref<10240xf32, #tpu.memory_space<vmem_shared>> -> memref<10240xf32, #tpu.memory_space<vmem_shared>>
          tpu.wait_indirect_dma semaphore(%run_scoped3A : memref<!tpu.dma_semaphore, #tpu.memory_space<semaphore_mem>>) src(%arg15 : memref<112xf32, #tpu.memory_space<vmem>>) dst(%dma_wait3A_617 : memref<10240xf32, #tpu.memory_space<vmem_shared>>)
          tpu.yield
        }) : () -> ()
        %add3A_589 = arith.constant 2 : i32
        %add3A_590 = arith.addi %mul3A_583, %add3A_589 : i32
        %lt3A_591 = arith.cmpi slt, %add3A_590, %select_n3A_532 : i32
        %convert_element_type3A_592 = arith.extui %lt3A_591 : i1 to i32
        %cond3A_593 = arith.constant 0 : i32
        %cond3A_594 = arith.cmpi ne, %convert_element_type3A_592, %cond3A_593 : i32
        scf.if %cond3A_594 {
          %add3A_608 = arith.constant 2 : i32
          %add3A_609 = arith.addi %mul3A_583, %add3A_608 : i32
          %mul3A_610 = arith.constant 112 : i32
          %mul3A_611 = arith.muli %add3A_609, %mul3A_610 : i32
          %dma_start3A_612 = tpu.memref_slice %arg8[%mul3A_611] : memref<2112xi32, #tpu.memory_space<vmem>> -> memref<112xi32, #tpu.memory_space<vmem>>
          %dma_start3A_613 = arith.constant 0 : i32
          %dma_start3A_614 = arith.constant 0 : i32
          %dma_start3A_615 = tpu.memref_slice %arg2[%dma_start3A_613, %dma_start3A_614] : memref<10000x128xf32, #tpu.memory_space<hbm>> -> memref<10000x128xf32, #tpu.memory_space<hbm>>
          tpu.enqueue_indirect_dma source(%dma_start3A_615 : memref<10000x128xf32, #tpu.memory_space<hbm>>) target(%arg13 : memref<112x128xf32, #tpu.memory_space<vmem>>) offsets(%dma_start3A_612 : memref<112xi32, #tpu.memory_space<vmem>>) semaphore(%arg20 : memref<!tpu.dma_semaphore, #tpu.memory_space<semaphore_mem>>)
        } else {
        }
        %add3A_595 = arith.constant 1 : i32
        %add3A_596 = arith.addi %mul3A_583, %add3A_595 : i32
        %lt3A_597 = arith.cmpi slt, %add3A_596, %select_n3A_532 : i32
        %convert_element_type3A_598 = arith.extui %lt3A_597 : i1 to i32
        %cond3A_599 = arith.constant 0 : i32
        %cond3A_600 = arith.cmpi ne, %convert_element_type3A_598, %cond3A_599 : i32
        scf.if %cond3A_600 {
          %dma_wait3A_608 = arith.constant 0 : i32
          %dma_wait3A_609 = tpu.memref_slice %arg8[%dma_wait3A_608] : memref<2112xi32, #tpu.memory_space<vmem>> -> memref<112xi32, #tpu.memory_space<vmem>>
          %dma_wait3A_610 = arith.constant 0 : i32
          %dma_wait3A_611 = arith.constant 0 : i32
          %dma_wait3A_612 = tpu.memref_slice %arg2[%dma_wait3A_610, %dma_wait3A_611] : memref<10000x128xf32, #tpu.memory_space<hbm>> -> memref<10000x128xf32, #tpu.memory_space<hbm>>
          tpu.wait_indirect_dma semaphore(%arg21 : memref<!tpu.dma_semaphore, #tpu.memory_space<semaphore_mem>>) src(%dma_wait3A_612 : memref<10000x128xf32, #tpu.memory_space<hbm>>) dst(%arg14 : memref<112x128xf32, #tpu.memory_space<vmem>>)
          %add3A_613 = arith.constant 1 : i32
          %add3A_614 = arith.addi %mul3A_583, %add3A_613 : i32
          "tpu.region"() ({
            %run_scoped3A = tpu.sem_alloc : memref<!tpu.dma_semaphore, #tpu.memory_space<semaphore_mem>>
            %dma_start3A_617 = arith.constant 0 : i32
            %dma_start3A_618 = tpu.memref_slice %arg9[%add3A_614, %dma_start3A_617] : memref<19x112xi32, #tpu.memory_space<vmem>> -> memref<1x112xi32, #tpu.memory_space<vmem>>
            %dma_start3A_619 = tpu.memref_squeeze %dma_start3A_618 : memref<1x112xi32, #tpu.memory_space<vmem>> -> memref<112xi32, #tpu.memory_space<vmem>>
            %dma_start3A_620 = arith.constant 0 : i32
            %dma_start3A_621 = arith.constant 0 : i32
            %dma_start3A_622 = tpu.memref_slice %arg18[%dma_start3A_620, %dma_start3A_621] : memref<10240x128xf32, #tpu.memory_space<vmem_shared>> -> memref<10240x128xf32, #tpu.memory_space<vmem_shared>>
            tpu.enqueue_indirect_dma source(%arg14 : memref<112x128xf32, #tpu.memory_space<vmem>>) target(%dma_start3A_622 : memref<10240x128xf32, #tpu.memory_space<vmem_shared>>) offsets(%dma_start3A_619 : memref<112xi32, #tpu.memory_space<vmem>>) semaphore(%run_scoped3A : memref<!tpu.dma_semaphore, #tpu.memory_space<semaphore_mem>>) {add = true}
            %dma_wait3A_623 = arith.constant 0 : i32
            %dma_wait3A_624 = tpu.memref_slice %arg9[%add3A_614, %dma_wait3A_623] : memref<19x112xi32, #tpu.memory_space<vmem>> -> memref<1x112xi32, #tpu.memory_space<vmem>>
            %dma_wait3A_625 = tpu.memref_squeeze %dma_wait3A_624 : memref<1x112xi32, #tpu.memory_space<vmem>> -> memref<112xi32, #tpu.memory_space<vmem>>
            %dma_wait3A_626 = arith.constant 0 : i32
            %dma_wait3A_627 = arith.constant 0 : i32
            %dma_wait3A_628 = tpu.memref_slice %arg18[%dma_wait3A_626, %dma_wait3A_627] : memref<10240x128xf32, #tpu.memory_space<vmem_shared>> -> memref<10240x128xf32, #tpu.memory_space<vmem_shared>>
            tpu.wait_indirect_dma semaphore(%run_scoped3A : memref<!tpu.dma_semaphore, #tpu.memory_space<semaphore_mem>>) src(%arg14 : memref<112x128xf32, #tpu.memory_space<vmem>>) dst(%dma_wait3A_628 : memref<10240x128xf32, #tpu.memory_space<vmem_shared>>)
            tpu.yield
          }) : () -> ()
          %add3A_615 = arith.constant 1 : i32
          %add3A_616 = arith.addi %mul3A_583, %add3A_615 : i32
          "tpu.region"() ({
            %run_scoped3A = tpu.sem_alloc : memref<!tpu.dma_semaphore, #tpu.memory_space<semaphore_mem>>
            %dma_start3A_617 = arith.constant 0 : i32
            %dma_start3A_618 = tpu.memref_slice %arg9[%add3A_616, %dma_start3A_617] : memref<19x112xi32, #tpu.memory_space<vmem>> -> memref<1x112xi32, #tpu.memory_space<vmem>>
            %dma_start3A_619 = tpu.memref_squeeze %dma_start3A_618 : memref<1x112xi32, #tpu.memory_space<vmem>> -> memref<112xi32, #tpu.memory_space<vmem>>
            %dma_start3A_620 = arith.constant 0 : i32
            %dma_start3A_621 = tpu.memref_slice %arg19[%dma_start3A_620] : memref<10240xf32, #tpu.memory_space<vmem_shared>> -> memref<10240xf32, #tpu.memory_space<vmem_shared>>
            tpu.enqueue_indirect_dma source(%arg15 : memref<112xf32, #tpu.memory_space<vmem>>) target(%dma_start3A_621 : memref<10240xf32, #tpu.memory_space<vmem_shared>>) offsets(%dma_start3A_619 : memref<112xi32, #tpu.memory_space<vmem>>) semaphore(%run_scoped3A : memref<!tpu.dma_semaphore, #tpu.memory_space<semaphore_mem>>) {add = true}
            %dma_wait3A_622 = arith.constant 0 : i32
            %dma_wait3A_623 = tpu.memref_slice %arg9[%add3A_616, %dma_wait3A_622] : memref<19x112xi32, #tpu.memory_space<vmem>> -> memref<1x112xi32, #tpu.memory_space<vmem>>
            %dma_wait3A_624 = tpu.memref_squeeze %dma_wait3A_623 : memref<1x112xi32, #tpu.memory_space<vmem>> -> memref<112xi32, #tpu.memory_space<vmem>>
            %dma_wait3A_625 = arith.constant 0 : i32
            %dma_wait3A_626 = tpu.memref_slice %arg19[%dma_wait3A_625] : memref<10240xf32, #tpu.memory_space<vmem_shared>> -> memref<10240xf32, #tpu.memory_space<vmem_shared>>
            tpu.wait_indirect_dma semaphore(%run_scoped3A : memref<!tpu.dma_semaphore, #tpu.memory_space<semaphore_mem>>) src(%arg15 : memref<112xf32, #tpu.memory_space<vmem>>) dst(%dma_wait3A_626 : memref<10240xf32, #tpu.memory_space<vmem_shared>>)
            tpu.yield
          }) : () -> ()
        } else {
        }
        %add3A_601 = arith.constant 3 : i32
        %add3A_602 = arith.addi %mul3A_583, %add3A_601 : i32
        %lt3A_603 = arith.cmpi slt, %add3A_602, %select_n3A_532 : i32
        %convert_element_type3A_604 = arith.extui %lt3A_603 : i1 to i32
        %cond3A_605 = arith.constant 0 : i32
        %cond3A_606 = arith.cmpi ne, %convert_element_type3A_604, %cond3A_605 : i32
        scf.if %cond3A_606 {
          %add3A_608 = arith.constant 3 : i32
          %add3A_609 = arith.addi %mul3A_583, %add3A_608 : i32
          %mul3A_610 = arith.constant 112 : i32
          %mul3A_611 = arith.muli %add3A_609, %mul3A_610 : i32
          %dma_start3A_612 = tpu.memref_slice %arg8[%mul3A_611] : memref<2112xi32, #tpu.memory_space<vmem>> -> memref<112xi32, #tpu.memory_space<vmem>>
          %dma_start3A_613 = arith.constant 0 : i32
          %dma_start3A_614 = arith.constant 0 : i32
          %dma_start3A_615 = tpu.memref_slice %arg2[%dma_start3A_613, %dma_start3A_614] : memref<10000x128xf32, #tpu.memory_space<hbm>> -> memref<10000x128xf32, #tpu.memory_space<hbm>>
          tpu.enqueue_indirect_dma source(%dma_start3A_615 : memref<10000x128xf32, #tpu.memory_space<hbm>>) target(%arg14 : memref<112x128xf32, #tpu.memory_space<vmem>>) offsets(%dma_start3A_612 : memref<112xi32, #tpu.memory_space<vmem>>) semaphore(%arg21 : memref<!tpu.dma_semaphore, #tpu.memory_space<semaphore_mem>>)
        } else {
        }
        %while3A_607 = arith.constant 0 : i32
        scf.yield %while3A_607 : i32
      }
      %while3A_577 = arith.constant 1 : i32
      %while3A_578 = scf.for %while3A_580 = %while3A_574 to %while3A_570 step %while3A_577 iter_args(%while3A_581 = %while3A_576) -> (i32)  : i32 {
        %mul3A_582 = arith.constant 2 : i32
        %mul3A_583 = arith.muli %mul3A_582, %while3A_580 : i32
        %dma_wait3A_584 = arith.constant 0 : i32
        %dma_wait3A_585 = tpu.memref_slice %arg8[%dma_wait3A_584] : memref<2112xi32, #tpu.memory_space<vmem>> -> memref<112xi32, #tpu.memory_space<vmem>>
        %dma_wait3A_586 = arith.constant 0 : i32
        %dma_wait3A_587 = arith.constant 0 : i32
        %dma_wait3A_588 = tpu.memref_slice %arg2[%dma_wait3A_586, %dma_wait3A_587] : memref<10000x128xf32, #tpu.memory_space<hbm>> -> memref<10000x128xf32, #tpu.memory_space<hbm>>
        tpu.wait_indirect_dma semaphore(%arg20 : memref<!tpu.dma_semaphore, #tpu.memory_space<semaphore_mem>>) src(%dma_wait3A_588 : memref<10000x128xf32, #tpu.memory_space<hbm>>) dst(%arg13 : memref<112x128xf32, #tpu.memory_space<vmem>>)
        "tpu.region"() ({
          %run_scoped3A = tpu.sem_alloc : memref<!tpu.dma_semaphore, #tpu.memory_space<semaphore_mem>>
          %dma_start3A_608 = arith.constant 0 : i32
          %dma_start3A_609 = tpu.memref_slice %arg9[%mul3A_583, %dma_start3A_608] : memref<19x112xi32, #tpu.memory_space<vmem>> -> memref<1x112xi32, #tpu.memory_space<vmem>>
          %dma_start3A_610 = tpu.memref_squeeze %dma_start3A_609 : memref<1x112xi32, #tpu.memory_space<vmem>> -> memref<112xi32, #tpu.memory_space<vmem>>
          %dma_start3A_611 = arith.constant 0 : i32
          %dma_start3A_612 = arith.constant 0 : i32
          %dma_start3A_613 = tpu.memref_slice %arg18[%dma_start3A_611, %dma_start3A_612] : memref<10240x128xf32, #tpu.memory_space<vmem_shared>> -> memref<10240x128xf32, #tpu.memory_space<vmem_shared>>
          tpu.enqueue_indirect_dma source(%arg13 : memref<112x128xf32, #tpu.memory_space<vmem>>) target(%dma_start3A_613 : memref<10240x128xf32, #tpu.memory_space<vmem_shared>>) offsets(%dma_start3A_610 : memref<112xi32, #tpu.memory_space<vmem>>) semaphore(%run_scoped3A : memref<!tpu.dma_semaphore, #tpu.memory_space<semaphore_mem>>) {add = true}
          %dma_wait3A_614 = arith.constant 0 : i32
          %dma_wait3A_615 = tpu.memref_slice %arg9[%mul3A_583, %dma_wait3A_614] : memref<19x112xi32, #tpu.memory_space<vmem>> -> memref<1x112xi32, #tpu.memory_space<vmem>>
          %dma_wait3A_616 = tpu.memref_squeeze %dma_wait3A_615 : memref<1x112xi32, #tpu.memory_space<vmem>> -> memref<112xi32, #tpu.memory_space<vmem>>
          %dma_wait3A_617 = arith.constant 0 : i32
          %dma_wait3A_618 = arith.constant 0 : i32
          %dma_wait3A_619 = tpu.memref_slice %arg18[%dma_wait3A_617, %dma_wait3A_618] : memref<10240x128xf32, #tpu.memory_space<vmem_shared>> -> memref<10240x128xf32, #tpu.memory_space<vmem_shared>>
          tpu.wait_indirect_dma semaphore(%run_scoped3A : memref<!tpu.dma_semaphore, #tpu.memory_space<semaphore_mem>>) src(%arg13 : memref<112x128xf32, #tpu.memory_space<vmem>>) dst(%dma_wait3A_619 : memref<10240x128xf32, #tpu.memory_space<vmem_shared>>)
          tpu.yield
        }) : () -> ()
        "tpu.region"() ({
          %run_scoped3A = tpu.sem_alloc : memref<!tpu.dma_semaphore, #tpu.memory_space<semaphore_mem>>
          %dma_start3A_608 = arith.constant 0 : i32
          %dma_start3A_609 = tpu.memref_slice %arg9[%mul3A_583, %dma_start3A_608] : memref<19x112xi32, #tpu.memory_space<vmem>> -> memref<1x112xi32, #tpu.memory_space<vmem>>
          %dma_start3A_610 = tpu.memref_squeeze %dma_start3A_609 : memref<1x112xi32, #tpu.memory_space<vmem>> -> memref<112xi32, #tpu.memory_space<vmem>>
          %dma_start3A_611 = arith.constant 0 : i32
          %dma_start3A_612 = tpu.memref_slice %arg19[%dma_start3A_611] : memref<10240xf32, #tpu.memory_space<vmem_shared>> -> memref<10240xf32, #tpu.memory_space<vmem_shared>>
          tpu.enqueue_indirect_dma source(%arg15 : memref<112xf32, #tpu.memory_space<vmem>>) target(%dma_start3A_612 : memref<10240xf32, #tpu.memory_space<vmem_shared>>) offsets(%dma_start3A_610 : memref<112xi32, #tpu.memory_space<vmem>>) semaphore(%run_scoped3A : memref<!tpu.dma_semaphore, #tpu.memory_space<semaphore_mem>>) {add = true}
          %dma_wait3A_613 = arith.constant 0 : i32
          %dma_wait3A_614 = tpu.memref_slice %arg9[%mul3A_583, %dma_wait3A_613] : memref<19x112xi32, #tpu.memory_space<vmem>> -> memref<1x112xi32, #tpu.memory_space<vmem>>
          %dma_wait3A_615 = tpu.memref_squeeze %dma_wait3A_614 : memref<1x112xi32, #tpu.memory_space<vmem>> -> memref<112xi32, #tpu.memory_space<vmem>>
          %dma_wait3A_616 = arith.constant 0 : i32
          %dma_wait3A_617 = tpu.memref_slice %arg19[%dma_wait3A_616] : memref<10240xf32, #tpu.memory_space<vmem_shared>> -> memref<10240xf32, #tpu.memory_space<vmem_shared>>
          tpu.wait_indirect_dma semaphore(%run_scoped3A : memref<!tpu.dma_semaphore, #tpu.memory_space<semaphore_mem>>) src(%arg15 : memref<112xf32, #tpu.memory_space<vmem>>) dst(%dma_wait3A_617 : memref<10240xf32, #tpu.memory_space<vmem_shared>>)
          tpu.yield
        }) : () -> ()
        %add3A_589 = arith.constant 2 : i32
        %add3A_590 = arith.addi %mul3A_583, %add3A_589 : i32
        %lt3A_591 = arith.cmpi slt, %add3A_590, %select_n3A_532 : i32
        %convert_element_type3A_592 = arith.extui %lt3A_591 : i1 to i32
        %cond3A_593 = arith.constant 0 : i32
        %cond3A_594 = arith.cmpi ne, %convert_element_type3A_592, %cond3A_593 : i32
        scf.if %cond3A_594 {
          %add3A_608 = arith.constant 2 : i32
          %add3A_609 = arith.addi %mul3A_583, %add3A_608 : i32
          %mul3A_610 = arith.constant 112 : i32
          %mul3A_611 = arith.muli %add3A_609, %mul3A_610 : i32
          %dma_start3A_612 = tpu.memref_slice %arg8[%mul3A_611] : memref<2112xi32, #tpu.memory_space<vmem>> -> memref<112xi32, #tpu.memory_space<vmem>>
          %dma_start3A_613 = arith.constant 0 : i32
          %dma_start3A_614 = arith.constant 0 : i32
          %dma_start3A_615 = tpu.memref_slice %arg2[%dma_start3A_613, %dma_start3A_614] : memref<10000x128xf32, #tpu.memory_space<hbm>> -> memref<10000x128xf32, #tpu.memory_space<hbm>>
          tpu.enqueue_indirect_dma source(%dma_start3A_615 : memref<10000x128xf32, #tpu.memory_space<hbm>>) target(%arg13 : memref<112x128xf32, #tpu.memory_space<vmem>>) offsets(%dma_start3A_612 : memref<112xi32, #tpu.memory_space<vmem>>) semaphore(%arg20 : memref<!tpu.dma_semaphore, #tpu.memory_space<semaphore_mem>>)
        } else {
        }
        %add3A_595 = arith.constant 1 : i32
        %add3A_596 = arith.addi %mul3A_583, %add3A_595 : i32
        %lt3A_597 = arith.cmpi slt, %add3A_596, %select_n3A_532 : i32
        %convert_element_type3A_598 = arith.extui %lt3A_597 : i1 to i32
        %cond3A_599 = arith.constant 0 : i32
        %cond3A_600 = arith.cmpi ne, %convert_element_type3A_598, %cond3A_599 : i32
        scf.if %cond3A_600 {
          %dma_wait3A_608 = arith.constant 0 : i32
          %dma_wait3A_609 = tpu.memref_slice %arg8[%dma_wait3A_608] : memref<2112xi32, #tpu.memory_space<vmem>> -> memref<112xi32, #tpu.memory_space<vmem>>
          %dma_wait3A_610 = arith.constant 0 : i32
          %dma_wait3A_611 = arith.constant 0 : i32
          %dma_wait3A_612 = tpu.memref_slice %arg2[%dma_wait3A_610, %dma_wait3A_611] : memref<10000x128xf32, #tpu.memory_space<hbm>> -> memref<10000x128xf32, #tpu.memory_space<hbm>>
          tpu.wait_indirect_dma semaphore(%arg21 : memref<!tpu.dma_semaphore, #tpu.memory_space<semaphore_mem>>) src(%dma_wait3A_612 : memref<10000x128xf32, #tpu.memory_space<hbm>>) dst(%arg14 : memref<112x128xf32, #tpu.memory_space<vmem>>)
          %add3A_613 = arith.constant 1 : i32
          %add3A_614 = arith.addi %mul3A_583, %add3A_613 : i32
          "tpu.region"() ({
            %run_scoped3A = tpu.sem_alloc : memref<!tpu.dma_semaphore, #tpu.memory_space<semaphore_mem>>
            %dma_start3A_617 = arith.constant 0 : i32
            %dma_start3A_618 = tpu.memref_slice %arg9[%add3A_614, %dma_start3A_617] : memref<19x112xi32, #tpu.memory_space<vmem>> -> memref<1x112xi32, #tpu.memory_space<vmem>>
            %dma_start3A_619 = tpu.memref_squeeze %dma_start3A_618 : memref<1x112xi32, #tpu.memory_space<vmem>> -> memref<112xi32, #tpu.memory_space<vmem>>
            %dma_start3A_620 = arith.constant 0 : i32
            %dma_start3A_621 = arith.constant 0 : i32
            %dma_start3A_622 = tpu.memref_slice %arg18[%dma_start3A_620, %dma_start3A_621] : memref<10240x128xf32, #tpu.memory_space<vmem_shared>> -> memref<10240x128xf32, #tpu.memory_space<vmem_shared>>
            tpu.enqueue_indirect_dma source(%arg14 : memref<112x128xf32, #tpu.memory_space<vmem>>) target(%dma_start3A_622 : memref<10240x128xf32, #tpu.memory_space<vmem_shared>>) offsets(%dma_start3A_619 : memref<112xi32, #tpu.memory_space<vmem>>) semaphore(%run_scoped3A : memref<!tpu.dma_semaphore, #tpu.memory_space<semaphore_mem>>) {add = true}
            %dma_wait3A_623 = arith.constant 0 : i32
            %dma_wait3A_624 = tpu.memref_slice %arg9[%add3A_614, %dma_wait3A_623] : memref<19x112xi32, #tpu.memory_space<vmem>> -> memref<1x112xi32, #tpu.memory_space<vmem>>
            %dma_wait3A_625 = tpu.memref_squeeze %dma_wait3A_624 : memref<1x112xi32, #tpu.memory_space<vmem>> -> memref<112xi32, #tpu.memory_space<vmem>>
            %dma_wait3A_626 = arith.constant 0 : i32
            %dma_wait3A_627 = arith.constant 0 : i32
            %dma_wait3A_628 = tpu.memref_slice %arg18[%dma_wait3A_626, %dma_wait3A_627] : memref<10240x128xf32, #tpu.memory_space<vmem_shared>> -> memref<10240x128xf32, #tpu.memory_space<vmem_shared>>
            tpu.wait_indirect_dma semaphore(%run_scoped3A : memref<!tpu.dma_semaphore, #tpu.memory_space<semaphore_mem>>) src(%arg14 : memref<112x128xf32, #tpu.memory_space<vmem>>) dst(%dma_wait3A_628 : memref<10240x128xf32, #tpu.memory_space<vmem_shared>>)
            tpu.yield
          }) : () -> ()
          %add3A_615 = arith.constant 1 : i32
          %add3A_616 = arith.addi %mul3A_583, %add3A_615 : i32
          "tpu.region"() ({
            %run_scoped3A = tpu.sem_alloc : memref<!tpu.dma_semaphore, #tpu.memory_space<semaphore_mem>>
            %dma_start3A_617 = arith.constant 0 : i32
            %dma_start3A_618 = tpu.memref_slice %arg9[%add3A_616, %dma_start3A_617] : memref<19x112xi32, #tpu.memory_space<vmem>> -> memref<1x112xi32, #tpu.memory_space<vmem>>
            %dma_start3A_619 = tpu.memref_squeeze %dma_start3A_618 : memref<1x112xi32, #tpu.memory_space<vmem>> -> memref<112xi32, #tpu.memory_space<vmem>>
            %dma_start3A_620 = arith.constant 0 : i32
            %dma_start3A_621 = tpu.memref_slice %arg19[%dma_start3A_620] : memref<10240xf32, #tpu.memory_space<vmem_shared>> -> memref<10240xf32, #tpu.memory_space<vmem_shared>>
            tpu.enqueue_indirect_dma source(%arg15 : memref<112xf32, #tpu.memory_space<vmem>>) target(%dma_start3A_621 : memref<10240xf32, #tpu.memory_space<vmem_shared>>) offsets(%dma_start3A_619 : memref<112xi32, #tpu.memory_space<vmem>>) semaphore(%run_scoped3A : memref<!tpu.dma_semaphore, #tpu.memory_space<semaphore_mem>>) {add = true}
            %dma_wait3A_622 = arith.constant 0 : i32
            %dma_wait3A_623 = tpu.memref_slice %arg9[%add3A_616, %dma_wait3A_622] : memref<19x112xi32, #tpu.memory_space<vmem>> -> memref<1x112xi32, #tpu.memory_space<vmem>>
            %dma_wait3A_624 = tpu.memref_squeeze %dma_wait3A_623 : memref<1x112xi32, #tpu.memory_space<vmem>> -> memref<112xi32, #tpu.memory_space<vmem>>
            %dma_wait3A_625 = arith.constant 0 : i32
            %dma_wait3A_626 = tpu.memref_slice %arg19[%dma_wait3A_625] : memref<10240xf32, #tpu.memory_space<vmem_shared>> -> memref<10240xf32, #tpu.memory_space<vmem_shared>>
            tpu.wait_indirect_dma semaphore(%run_scoped3A : memref<!tpu.dma_semaphore, #tpu.memory_space<semaphore_mem>>) src(%arg15 : memref<112xf32, #tpu.memory_space<vmem>>) dst(%dma_wait3A_626 : memref<10240xf32, #tpu.memory_space<vmem_shared>>)
            tpu.yield
          }) : () -> ()
        } else {
        }
        %add3A_601 = arith.constant 3 : i32
        %add3A_602 = arith.addi %mul3A_583, %add3A_601 : i32
        %lt3A_603 = arith.cmpi slt, %add3A_602, %select_n3A_532 : i32
        %convert_element_type3A_604 = arith.extui %lt3A_603 : i1 to i32
        %cond3A_605 = arith.constant 0 : i32
        %cond3A_606 = arith.cmpi ne, %convert_element_type3A_604, %cond3A_605 : i32
        scf.if %cond3A_606 {
          %add3A_608 = arith.constant 3 : i32
          %add3A_609 = arith.addi %mul3A_583, %add3A_608 : i32
          %mul3A_610 = arith.constant 112 : i32
          %mul3A_611 = arith.muli %add3A_609, %mul3A_610 : i32
          %dma_start3A_612 = tpu.memref_slice %arg8[%mul3A_611] : memref<2112xi32, #tpu.memory_space<vmem>> -> memref<112xi32, #tpu.memory_space<vmem>>
          %dma_start3A_613 = arith.constant 0 : i32
          %dma_start3A_614 = arith.constant 0 : i32
          %dma_start3A_615 = tpu.memref_slice %arg2[%dma_start3A_613, %dma_start3A_614] : memref<10000x128xf32, #tpu.memory_space<hbm>> -> memref<10000x128xf32, #tpu.memory_space<hbm>>
          tpu.enqueue_indirect_dma source(%dma_start3A_615 : memref<10000x128xf32, #tpu.memory_space<hbm>>) target(%arg14 : memref<112x128xf32, #tpu.memory_space<vmem>>) offsets(%dma_start3A_612 : memref<112xi32, #tpu.memory_space<vmem>>) semaphore(%arg21 : memref<!tpu.dma_semaphore, #tpu.memory_space<semaphore_mem>>)
        } else {
        }
        %while3A_607 = arith.constant 0 : i32
        scf.yield %while3A_607 : i32
      }
      %scan3A_579 = arith.constant 0 : i32
      scf.yield %scan3A_579 : i32
    }
    %scan3A_66 = arith.constant 10 : i32
    %barrier3A_67 = arith.constant 0 : index
    tpu.barrier barrier_id(%barrier3A_67)
    "tpu.region"() ({
      %run_scoped3A = tpu.sem_alloc : memref<!tpu.dma_semaphore, #tpu.memory_space<semaphore_mem>>
      %dma_start3A_68 = arith.constant 0 : i32
      %dma_start3A_69 = tpu.memref_slice %arg6[%arg0, %mul3A_42, %dma_start3A_68] : memref<2x10240x128xf32, #tpu.memory_space<hbm>> -> memref<1x640x128xf32, #tpu.memory_space<hbm>>
      %dma_start3A_70 = tpu.memref_squeeze %dma_start3A_69 : memref<1x640x128xf32, #tpu.memory_space<hbm>> -> memref<640x128xf32, #tpu.memory_space<hbm>>
      %dma_start3A_71 = arith.constant 0 : i32
      %dma_start3A_72 = tpu.memref_slice %arg18[%mul3A_42, %dma_start3A_71] : memref<10240x128xf32, #tpu.memory_space<vmem_shared>> -> memref<640x128xf32, #tpu.memory_space<vmem_shared>>
      tpu.enqueue_dma source(%dma_start3A_72 : memref<640x128xf32, #tpu.memory_space<vmem_shared>>) target(%dma_start3A_70 : memref<640x128xf32, #tpu.memory_space<hbm>>) target_semaphore(%run_scoped3A : memref<!tpu.dma_semaphore, #tpu.memory_space<semaphore_mem>>)
      %dma_wait3A = arith.constant 0 : i32
      %dma_wait3A_73 = tpu.memref_slice %arg6[%arg0, %mul3A_42, %dma_wait3A] : memref<2x10240x128xf32, #tpu.memory_space<hbm>> -> memref<1x640x128xf32, #tpu.memory_space<hbm>>
      %dma_wait3A_74 = tpu.memref_squeeze %dma_wait3A_73 : memref<1x640x128xf32, #tpu.memory_space<hbm>> -> memref<640x128xf32, #tpu.memory_space<hbm>>
      %dma_wait3A_75 = arith.constant 0 : i32
      %dma_wait3A_76 = tpu.memref_slice %arg18[%mul3A_42, %dma_wait3A_75] : memref<10240x128xf32, #tpu.memory_space<vmem_shared>> -> memref<640x128xf32, #tpu.memory_space<vmem_shared>>
      tpu.wait_dma2 semaphore(%run_scoped3A : memref<!tpu.dma_semaphore, #tpu.memory_space<semaphore_mem>>) src(%dma_wait3A_76 : memref<640x128xf32, #tpu.memory_space<vmem_shared>>) dst(%dma_wait3A_74 : memref<640x128xf32, #tpu.memory_space<hbm>>)
      tpu.yield
    }) : () -> ()
    "tpu.region"() ({
      %run_scoped3A = tpu.sem_alloc : memref<!tpu.dma_semaphore, #tpu.memory_space<semaphore_mem>>
      %dma_start3A_68 = tpu.memref_slice %arg7[%arg0, %mul3A_42] : memref<2x10240xf32, #tpu.memory_space<hbm>> -> memref<1x640xf32, #tpu.memory_space<hbm>>
      %dma_start3A_69 = tpu.memref_squeeze %dma_start3A_68 : memref<1x640xf32, #tpu.memory_space<hbm>> -> memref<640xf32, #tpu.memory_space<hbm>>
      %dma_start3A_70 = tpu.memref_slice %arg19[%mul3A_42] : memref<10240xf32, #tpu.memory_space<vmem_shared>> -> memref<640xf32, #tpu.memory_space<vmem_shared>>
      tpu.enqueue_dma source(%dma_start3A_70 : memref<640xf32, #tpu.memory_space<vmem_shared>>) target(%dma_start3A_69 : memref<640xf32, #tpu.memory_space<hbm>>) target_semaphore(%run_scoped3A : memref<!tpu.dma_semaphore, #tpu.memory_space<semaphore_mem>>)
      %dma_wait3A = tpu.memref_slice %arg7[%arg0, %mul3A_42] : memref<2x10240xf32, #tpu.memory_space<hbm>> -> memref<1x640xf32, #tpu.memory_space<hbm>>
      %dma_wait3A_71 = tpu.memref_squeeze %dma_wait3A : memref<1x640xf32, #tpu.memory_space<hbm>> -> memref<640xf32, #tpu.memory_space<hbm>>
      %dma_wait3A_72 = tpu.memref_slice %arg19[%mul3A_42] : memref<10240xf32, #tpu.memory_space<vmem_shared>> -> memref<640xf32, #tpu.memory_space<vmem_shared>>
      tpu.wait_dma2 semaphore(%run_scoped3A : memref<!tpu.dma_semaphore, #tpu.memory_space<semaphore_mem>>) src(%dma_wait3A_72 : memref<640xf32, #tpu.memory_space<vmem_shared>>) dst(%dma_wait3A_71 : memref<640xf32, #tpu.memory_space<hbm>>)
      tpu.yield
    }) : () -> ()
    return
  }
}

</mosaic_0001>

<sc_bundles>
// kernel: _sc_aggregate_cnt.3.cloned.1.call-start
scs
__scs_entry_jumppad:
0x0: {  	(pc) =	sbr.rel $0x88, $3  }
0x1: {  	(tag) =	ssettag $0x0;
	lr =	simm.s32 $0x1  }
0x2: {  	[smem:$0x3F9D] =	sst lr;
	_ =	strace $0xD0000000  }
0x3: {  	_ = 	snop  }
0x4: {  	_ = 	snop  }
0x5: {  	_ = 	snop  }
0x6: {  	_ = 	snop  }
0x7: {  	_ = 	snop  }
__scs_overlays_trampoline_lowered:
0x8: {  	[smem:$0x3FAC] =	sst s0  }
0x9: {  	[smem:$0x3FAD] =	sst s1  }
0xa: {  	[smem:$0x3FAE] =	sst s2  }
0xb: {  	[smem:$0x3FAF] =	sst s3  }
0xc: {  	[smem:$0x3FB0] =	sst s4  }
0xd: {  	[smem:$0x3FB1] =	sst s5  }
0xe: {  	[smem:$0x3FB2] =	sst s6  }
0xf: {  	[smem:$0x3FB3] =	sst s7  }
0x10: {  	[smem:$0x3FB4] =	sst s8  }
0x11: {  	[smem:$0x3FB5] =	sst s9;
	s0 =	simm.s32 @!p0 $0x0  }
0x12: {  	s1 =	sld [smem:$0x3F9B];
	s0 =	simm.s32 @p0 $0x1  }
0x13: {  	[smem:$0x3FB6] =	sst s0;
	s0 =	simm.s32 @!p1 $0x0  }
0x14: {  	s2 =	sld [smem:$0x3F9A];
	s0 =	simm.s32 @p1 $0x1  }
0x15: {  	[smem:$0x3FB7] =	sst s0;
	s0 =	simm.s32 @!p2 $0x0  }
0x16: {  	s3 =	sld [smem:$0x3FDB];
	s0 =	simm.s32 @p2 $0x1  }
0x17: {  	s4 =	simm.s32 $0x1BF5;
	[smem:$0x3FB9] =	sst s0  }
0x18: {  	s0 =	sld [smem:$0x3F9C];
	_ =	swait.ge [sflag:s4], $0x0  }
0x19: {  	s7 =	sld [smem:$0x3F9D]  }
0x1a: {  	s8 =	sadd.s32 $0xFFFFE003, lr  }
0x1b: {  	s9 =	sadd.s32 $0xFFFFFEF7, lr;
	s5 =	simm.s32 $0xFFFFFFFF;
	p2 =	slt.u32 s8, $0xFFFFF086  }
0x1c: {  	p1 =	slt.u32 s9, $0xF7A;
	s5 =	simm.s32 @!p2 $0x0  }
0x1d: {  	s5 =	simm.s32 @p1 $0x1;
	p0 =	seq.s32 s7, s2  }
0x1e: {  	s7 =	smul.u32 @!p0 $0xF7A, s2;
	p2 =	seq.s32 @!p0 s5, $0x0  }
0x1f: {  	s9 =	smul.u32 $0xF7A, s1;
	s8 =	simm.s32 @!p0 $0x1BF5;
	p2 =	por !p2, p0  }
0x20: {  	[sflag:s8] =	ssyncset.s32 @!p0 $0xFFFFF086;
	s6 =	sadd.s32 @!p0 s3, s7;
	s7 =	simm.s32 @!p0 $0x108  }
0x21: {  	s3 =	sadd.s32 s3, s9;
	s6 =	sadd.s32 @!p0 $0x88, s6;
	s7 =	simm.s32 @p2 $0x1082  }
0x22: {  	[simem:s7], [sflag:s8] =	dma.local @!p0 [hbm:s6], $0xF7A  }
0x23: {  	s9 =	sor.u32 $0xD0000000, s2;
	s6 =	simm.s32 $0x108;
	_ =	swait.ge @!p0 [sflag:s8], $0x0  }
0x24: {  	s3 =	sadd.s32 $0x88, s3;
	s6 =	simm.s32 @!p1 $0x1082;
	[sflag:s4] =	ssyncset.s32 $0xFFFFF086  }
0x25: {  	[simem:s6], [sflag:s4] =	dma.local [hbm:s3], $0xF7A  }
0x26: {  	[smem:$0x3F9D] =	sst s1;
	(tag) =	ssettag s2;
	_ =	strace s9  }
0x27: {  	s1 =	sld [smem:$0x3FAD]  }
0x28: {  	s2 =	sld [smem:$0x3FAE]  }
0x29: {  	s4 =	sld [smem:$0x3FB0]  }
0x2a: {  	p0 =	seq.s32 s5, $0x0;
	s5 =	sld [smem:$0x3FB1]  }
0x2b: {  	s6 =	sld [smem:$0x3FB2]  }
0x2c: {  	s7 =	sld [smem:$0x3FB3]  }
0x2d: {  	s3 =	simm.s32 $0x108;
	s8 =	sld [smem:$0x3FB4]  }
0x2e: {  	s3 =	simm.s32 @!p0 $0x1082;
	s9 =	sld [smem:$0x3FB5]  }
0x2f: {  	lr =	sadd.s32 s0, s3;
	s0 =	sld [smem:$0x3FAC]  }
0x30: {  	s3 =	sld [smem:$0x3FAF]  }
0x31: {  	[smem:$0x3FB8] =	sst s10  }
0x32: {  	s10 =	sld [smem:$0x3FB6];
	_ =	sdelay $0x3  }
0x33: {  	p0 =	seq.s32 s10, $0x1;
	s10 =	sld [smem:$0x3FB8];
	_ =	sdelay $0x3  }
0x34: {  	[smem:$0x3FB8] =	sst s10  }
0x35: {  	s10 =	sld [smem:$0x3FB7];
	_ =	sdelay $0x3  }
0x36: {  	p1 =	seq.s32 s10, $0x1;
	s10 =	sld [smem:$0x3FB8];
	_ =	sdelay $0x3  }
0x37: {  	[smem:$0x3FB8] =	sst s10  }
0x38: {  	s10 =	sld [smem:$0x3FB9]  }
0x39: {  	_ = 	snop;
	(pc) =	sbr.ind lr, $3  }
0x3a: {  	_ = 	snop  }
0x3b: {  	_ = 	snop  }
0x3c: {  	p2 =	seq.s32 s10, $0x1;
	s10 =	sld [smem:$0x3FB8]  }
0x3d: {  	_ =	shalt  }
0x3e: {  	_ =	shalt  }
0x3f: {  	_ =	shalt  }
0x40: {  	_ =	shalt  }
0x41: {  	_ =	shalt  }
0x42: {  	_ =	shalt  }
0x43: {  	_ =	shalt  }
0x44: {  	_ =	shalt  }
0x45: {  	_ =	shalt  }
0x46: {  	_ =	shalt  }
0x47: {  	_ =	shalt  }
0x48: {  	_ =	shalt  }
0x49: {  	_ =	shalt  }
0x4a: {  	_ =	shalt  }
0x4b: {  	_ =	shalt  }
0x4c: {  	_ =	shalt  }
0x4d: {  	_ =	shalt  }
0x4e: {  	_ =	shalt  }
0x4f: {  	_ =	shalt  }
0x50: {  	_ =	shalt  }
0x51: {  	_ =	shalt  }
0x52: {  	_ =	shalt  }
0x53: {  	_ =	shalt  }
0x54: {  	_ =	shalt  }
0x55: {  	_ =	shalt  }
0x56: {  	_ =	shalt  }
0x57: {  	_ =	shalt  }
0x58: {  	_ =	shalt  }
0x59: {  	_ =	shalt  }
0x5a: {  	_ =	shalt  }
0x5b: {  	_ =	shalt  }
0x5c: {  	_ =	shalt  }
0x5d: {  	_ =	shalt  }
0x5e: {  	_ =	shalt  }
0x5f: {  	_ =	shalt  }
0x60: {  	_ =	shalt  }
0x61: {  	_ =	shalt  }
0x62: {  	_ =	shalt  }
0x63: {  	_ =	shalt  }
0x64: {  	_ =	shalt  }
0x65: {  	_ =	shalt  }
0x66: {  	_ =	shalt  }
0x67: {  	_ =	shalt  }
0x68: {  	_ =	shalt  }
0x69: {  	_ =	shalt  }
0x6a: {  	_ =	shalt  }
0x6b: {  	_ =	shalt  }
0x6c: {  	_ =	shalt  }
0x6d: {  	_ =	shalt  }
0x6e: {  	_ =	shalt  }
0x6f: {  	_ =	shalt  }
0x70: {  	_ =	shalt  }
0x71: {  	_ =	shalt  }
0x72: {  	_ =	shalt  }
0x73: {  	_ =	shalt  }
0x74: {  	_ =	shalt  }
0x75: {  	_ =	shalt  }
0x76: {  	_ =	shalt  }
0x77: {  	_ =	shalt  }
0x78: {  	_ =	shalt  }
0x79: {  	_ =	shalt  }
0x7a: {  	_ =	shalt  }
0x7b: {  	_ =	shalt  }
0x7c: {  	_ =	shalt  }
0x7d: {  	_ =	shalt  }
0x7e: {  	_ =	shalt  }
0x7f: {  	_ =	shalt  }
0x80: {  	_ =	shalt  }
0x81: {  	_ =	shalt  }
0x82: {  	_ =	shalt  }
0x83: {  	_ =	shalt  }
0x84: {  	_ =	shalt  }
0x85: {  	_ =	shalt  }
0x86: {  	_ =	shalt  }
0x87: {  	_ =	shalt  }
.Lfunc_end0:
.L_simem_size_0:
called_computation_lowered:
.L_overlay_start_0:
0x88: {  	s2 =	sld [smem:$0x3FD9]  }
0x89: {  	s3 =	sld [smem:$0x3FFE];
	_ =	sdelay $0x1  }
0x8a: {  	s1 =	srdreg.scid  }
0x8b: {  	s0 =	sand.u32 $0x1, s1  }
0x8c: {  	s15 =	sshll.u32 s0, $0xA;
	s2 =	sadd.s32 s3, s2  }
0x8d: {  	s2 =	sadd.s32 s2, s15  }
0x8e: {  	[smem:$0x3FC4] =	sst s2  }
0x8f: {  	_ = 	snop  }
0x90: {  	s2 =	sld [smem:$0x3FC9]  }
0x91: {  	s16 =	sld [smem:$0x3FD0]  }
0x92: {  	s4 =	sld [smem:$0x3FC8]  }
0x93: {  	s5 =	sld [smem:$0x3FC7]  }
0x94: {  	s7 =	simm.s32 $0xA;
	s8 =	simm.s32 $0x10;
	s6 =	sld [smem:$0x3FC6]  }
0x95: {  	[smem:s8], [sflag:s7] =	dma.local [hbm:s16], $0x1  }
0x96: {  	_ =	swait.eq [sflag:s7], $0x1  }
0x97: {  	[sflag:s7] =	ssyncset.done $0x0  }
0x98: {  	s17 =	sld [smem:$0x10];
	[sflag:s7] =	ssyncadd.s32 $0xFFFFFFFF  }
0x99: {  	s18 =	sld [smem:$0x11];
	(tm) =	ssettm $0x1  }
0x9a: {  	s19 =	sld [smem:$0x3FFB];
	_ =	sdelay $0x3  }
0x9b: {  	_ =	strace s19  }
0x9c: {  	s8 =	sld [smem:$0x3FFC];
	_ =	sdelay $0x3  }
0x9d: {  	_ =	strace s8  }
0x9e: {  	s8 =	sld [smem:$0x3FFD];
	_ =	sdelay $0x3  }
0x9f: {  	_ =	strace s8  }
0xa0: {  	_ =	strace $0x8FFFFFFF  }
0xa1: {  	s20 =	sld [smem:$0x3FDB];
	_ =	sdelay $0x1  }
0xa2: {  	s9 =	simm.s32 $_scs_section_size  }
0xa3: {  	s10 =	simm.s32 $_size__tile_overlayer_lowered;
	s11 =	simm.s32 $_tile_overlayer_lowered  }
0xa4: {  	s23 =	simm.s32 $0x1BFF;
	s22 =	sshll.u32 s11, $0x1;
	s8 =	sadd.s32 s9, s20  }
0xa5: {  	s12 =	simm.s32 $0x0;
	s21 =	sshll.u32 s10, $0x1;
	s10 =	sadd.s32 s22, s8  }
0xa6: {  	[timem:s12], [sflag:s23] =	dma.local [hbm:s10], s21  }
0xa7: {  	_ =	swait.ge [sflag:s23], s21  }
0xa8: {  	s9 =	ssub.s32 $0x0, s21;
	[sflag:s23] =	ssyncset.done $0x0  }
0xa9: {  	[sflag:s23] =	ssyncadd.s32 s9;
	_ =	sdelay $0x1  }
0xaa: {  	s24 =	simm.s32 $0x1B8B  }
0xab: {  	_ =	swait.ge [sflag:s24], $0x1  }
0xac: {  	[sflag:s24] =	ssyncset.done $0x0  }
0xad: {  	s25 =	simm.s32 $0x1B8E;
	[sflag:s24] =	ssyncadd.s32 $0xFFFFFFFF  }
0xae: {  	s26 =	simm.s32 $execute0_lowered;
	[smem:$0x3FD2] =	sst s25  }
0xaf: {  	s9 =	sshll.u32 s26, $0x1;
	_ =	strace $0x80000046;
	[dreg:$0x1] =	wrdreg $0xFFFFFFFF  }
0xb0: {  	s28 =	simm.s32 $_size_execute0_lowered;
	s8 =	sadd.s32 s8, s9;
	[dreg:$0x0] =	wrdreg $0x0  }
0xb1: {  	s9 =	sshll.u32 s28, $0x1;
	[dreg:$0x2] =	wrdreg s8  }
0xb2: {  	[dreg:$0x3] =	wrdreg s9  }
0xb3: {  	[dreg:$0x4] =	wrdreg $0xC0  }
0xb4: {  	_ =	task [dreg:s12], $0x5FFFF  }
0xb5: {  	[dreg:$0x1] =	wrdreg $0xFFFFFFFF  }
0xb6: {  	[dreg:$0x0] =	wrdreg $0x60  }
0xb7: {  	[dreg:$0x2] =	wrdreg s2  }
0xb8: {  	[dreg:$0x3] =	wrdreg s4  }
0xb9: {  	[dreg:$0x4] =	wrdreg s5  }
0xba: {  	[dreg:$0x5] =	wrdreg s6  }
0xbb: {  	[dreg:$0x6] =	wrdreg s17  }
0xbc: {  	[dreg:$0x7] =	wrdreg s18  }
0xbd: {  	[dreg:$0x8] =	wrdreg $0xBA000  }
0xbe: {  	[dreg:$0x9] =	wrdreg $0x1FA000  }
0xbf: {  	[dreg:$0xa] =	wrdreg $0x9  }
0xc0: {  	_ =	task.clear_ibuf [dreg:s12], $0xBFFFF;
	_ =	strace $0x90000046  }
0xc1: {  	s29 =	simm.s32 $0x9;
	_ =	strace $0x80000048  }
0xc2: {  	_ =	swait.ge [sflag:s29], $0x1  }
0xc3: {  	[sflag:s29] =	ssyncadd.s32 $0xFFFFFFFF  }
0xc4: {  	_ =	strace $0x90000048  }
0xc5: {  	_ =	sfence  }
0xc6: {  	s30 =	sld [smem:$0x0];
	_ =	sdelay $0x2  }
0xc7: {  	s31 =	sshll.u32 s1, $0xD;
	s1 =	sshrl.u32 s1, $0x2  }
0xc8: {  	s3 =	sand.u32 $0x4000, s31;
	s1 =	sadd.s32 s1, s30  }
0xc9: {  	s0 =	sor.u32 s3, s0;
	s1 =	sshll.u32 s1, $0x11  }
0xca: {  	s0 =	sor.u32 s1, s0  }
0xcb: {  	s0 =	sadd.s32 $0x8F2B, s0  }
0xcc: {  	[sflag:s0] =	ssyncadd.remote.s32 $0x1  }
0xcd: {  	_ =	sfence.sel $0xFFFF  }
0xce: {  	[dreg:$0x0] =	wrdreg $0xFFFFFFFF;
	(pc) =	sbr.abs _section_cstart, $3  }
0xcf: {  	[dreg:$0x1] =	wrdreg $0xFFFFFFFF  }
0xd0: {  	_ =	task.clear_ibuf [dreg:s12], $0x2FFFF;
	_ =	strace $0x9FFFFFFF  }
0xd1: {  	(tm) =	ssettm $0x7FFFFFFF  }
tec
execute0_lowered:
.L_overlay_start_1:
0x0: {  	(tag) =	ssettag $0x1  }
0x1: {  	s0 =	rddreg [dreg:$0x1]  }
0x2: {  	s5 =	rddreg [dreg:$0x2]  }
0x3: {  	s7 =	rddreg [dreg:$0x3]  }
0x4: {  	s1 =	rddreg [dreg:$0x4]  }
0x5: {  	s2 =	rddreg [dreg:$0x5];
	s12 =	stileid.u32  }
0x6: {  	s8 =	rddreg [dreg:$0x6];
	s10 =	smul.u32 $0x4E20, s12  }
0x7: {  	s13 =	rddreg [dreg:$0x7];
	s9 =	smul.u32 $0x50000, s12  }
0x8: {  	s3 =	srdreg.scid;
	s16 =	smul.u32 $0xA00, s12  }
0x9: {  	s31 =	simm.s32 $0x0;
	s3 =	sand.u32 $0x1, s3;
	s20 =	smul.u32 $0x14000, s12  }
0xa: {  	[smem:$0x7FF] =	sst s31;
	s21 =	smul.u32 $0x500, s12;
	s4 =	ssub.s32 $0x2, s3  }
0xb: {  	_ =	strace $0x80000047;
	s11 =	smul.u32 $0x140000, s3;
	s15 =	sshrl.u32 s10, $0x3  }
0xc: {  	s23 =	sshll.u32 s3, $0x7;
	[dreg:$0x9] =	wrdreg s10;
	s0 =	sadd.s32 s0, s15  }
0xd: {  	s6 =	sshrl.u32 s4, $0x1;
	s17 =	sadd.s32 s5, s15;
	[dreg:$0xa] =	wrdreg s0  }
0xe: {  	s19 =	sshrl.u32 s16, $0x2;
	s18 =	sadd.s32 s7, s15;
	[dreg:$0xb] =	wrdreg s17  }
0xf: {  	v2 =	vimm.s32 $0xECA86420;
	s9 =	sshrl.u32 s9, $0x2;
	s5 =	sadd.s32 s19, s13;
	[dreg:$0xc] =	wrdreg s18  }
0x10: {  	v1 =	vimm.f32 $0.0e+00;
	v3 =	vimm.s32 $0x0;
	vm0 =	vcmask $0xB08;
	s4 =	ssub.s32 s4, s6;
	s7 =	sadd.s32 s9, s8;
	[dreg:$0xd] =	wrdreg s5  }
0x11: {  	vm1 =	vcmask $0x1310;
	vm2 =	vcmask $0x1B18;
	vm3 =	vcmask $0x300;
	s25 =	sadd.s32 s20, s11;
	s22 =	sadd.s32 $0xA0, s5;
	[dreg:$0xe] =	wrdreg s7  }
0x12: {  	vm4 =	vcmask $0x2320;
	vm5 =	vcmask $0x2B28;
	vm6 =	vcmask $0x3330;
	s6 =	sor.u32 s23, s21;
	s24 =	sadd.s32 $0x140, s5;
	[dreg:$0xf] =	wrdreg s22  }
.Ltmp0:
0x13: {  	vm7 =	vcmask $0x3B38;
	v5 =	vlaneseq.u32;
	vm8 =	vmmov $0xff;
	s26 =	sadd.s32 $0x1E0, s5;
	[dreg:$0x10] =	wrdreg s24;
	(pc) =	sbr.rel .LBB2_1-.Ltmp0, $4  }
0x14: {  	v4 =	vunpack.c.l.s4.s8 v2;
	v2 =	vimm.f32 $1.000000000e+00;
	v0 =	vmov s3;
	s3 =	sshrl.u32 s25, $0x3;
	s30 =	smax.u32 s4, $0x1;
	[dreg:$0x11] =	wrdreg s26  }
0x15: {  	v6 =	vmul.u32 $0x2, v5;
	v7 =	vor.u32 $0x2710, v5;
	v8 =	vor.u32 $0x10, v5;
	s6 =	sshrl.u32 s6, $0x3;
	s28 =	sadd.s32 s1, s3;
	[dreg:$0x14] =	wrdreg s30  }
0x16: {  	v9 =	vor.u32 $0x20, v5;
	v10 =	vor.u32 $0x30, v5;
	v11 =	vor.u32 $0x40, v5;
	s20 =	simm.s32 $0x4;
	s29 =	sadd.s32 s2, s6;
	[dreg:$0x12] =	wrdreg s28  }
0x17: {  	v12 =	vor.u32 $0x50, v5;
	v13 =	vor.u32 $0x60, v5;
	v4 =	vunpack.c.0.s8.s32 v4;
	s2 =	simm.s32 $0xB500;
	s1 =	simm.s32 $0x0;
	[dreg:$0x13] =	wrdreg s29  }
.LBB2_13:
0x18: {  	s0 =	stileid.u32;
	[bflag:$0x0] =	sbarrier.arrive $0xFFFF  }
0x19: {  	s0 =	sshll.u32 s0, $0x6;
	s7 =	rddreg [dreg:$0xe]  }
0x1a: {  	s2 =	rddreg [dreg:$0x12];
	s0 =	sor.u32 $0x1C04, s0;
	s1 =	sshrl.u32 s7, $0x3  }
0x1b: {  	[hbm:s2], [sflag:s0] =	dma.local [spmem:s1], $0x2800  }
0x1c: {  	s3 =	simm.s32 $0x20;
	_ =	swait.ge [sflag:s20], $0x2800  }
0x1d: {  	s4 =	simm.s32 $0x10;
	[sflag:s20] =	ssyncset.done $0x0;
	s5 =	rddreg [dreg:$0xd]  }
0x1e: {  	s28 =	rddreg [dreg:$0x13];
	[sflag:s20] =	ssyncadd.s32 $0xFFFFD800;
	s26 =	sshrl.u32 s5, $0x3  }
0x1f: {  	[hbm:s28@s3], [sflag:s0] =	dma.strided [spmem:s26@s4], $0x50, s16, $0x10   }
0x20: {  	_ =	swait.ge [sflag:s20], $0x50  }
0x21: {  	s29 =	rddreg [dreg:$0x15]  }
0x22: {  	s30 =	rddreg [dreg:$0x14];
	s1 =	sadd.s32 $0x1, s29  }
0x23: {  	p0 =	sne.s32 s1, s30  }
.Ltmp1:
0x24: {  	_ = 	snop;
	(pc) =	sbr.rel @!p0 .LBB2_14-.Ltmp1, $3  }
0x25: {  	_ =	sdelay $0x1  }
0x26: {  	[sflag:s20] =	ssyncset.done $0x0  }
0x27: {  	s2 =	simm.s32 $0xB500;
	[sflag:s20] =	ssyncadd.s32 $0xFFFFFFB0  }
.LBB2_1:
0x28: {  	s0 =	rddreg [dreg:$0xa];
	s24 =	simm.s32 $0x1480;
	s30 =	simm.s32 $0x0  }
0x29: {  	[tilespmem:s24], [sflag:$0x3] =	stream.linear.gather [hbm4b:s0+s31], $0x7D0, $0x38;
	[tilespmem:$0x1FC80] =	vst v63  }
0x2a: {  	[dreg:$0x15] =	wrdreg s1;
	s3 =	sand.u32 $0xFFFFFF80, s30  }
0x2b: {  	s25 =	rddreg [dreg:$0xb];
	s26 =	simm.s32 $0x2480;
	s3 =	ssub.s32 $0x0, s3  }
0x2c: {  	[tilespmem:s26], [sflag:$0x3] =	stream.linear.gather [hbm4b:s25+s31], $0x7D0, $0x38;
	[tilespmem:$0x1FC80] =	vst v63  }
0x2d: {  	s28 =	rddreg [dreg:$0xc];
	s1 =	sand.u32 $0x3FFFFF80, s30;
	s3 =	sand.u32 $0xFFFFFF80, s3  }
0x2e: {  	s29 =	simm.s32 $0x3480;
	s4 =	sand.u32 $0x70, s31;
	s3 =	sadd.s32 s3, s1  }
0x2f: {  	[tilespmem:s29], [sflag:$0x3] =	stream.linear.gather [hbm4b:s28+s31], $0x7D0, $0x38;
	[tilespmem:$0x1FC80] =	vst v63  }
0x30: {  	s1 =	simm.s32 $0x1;
	s4 =	sor.u32 s4, s3;
	s3 =	simm.s32 $0x0  }
.LBB2_2:
0x31: {  	s6 =	sshll.u32 s1, $0x4;
	p0 =	sne.s32 s1, $0x3F;
	s1 =	sadd.s32 $0x1, s1;
	[tilespmem:s4+$0xB500] =	vst v1  }
.Ltmp2:
0x32: {  	s3 =	sadd.s32 $0x10, s3;
	s4 =	sand.u32 $0xFFFFFF80, s6;
	(pc) =	sbr.rel @p0 .LBB2_2-.Ltmp2, $4  }
0x33: {  	s4 =	ssub.s32 s3, s4  }
0x34: {  	s6 =	sand.u32 $0x3FFFFF80, s6;
	s4 =	sand.u32 $0xFFFFFF80, s4  }
0x35: {  	s9 =	sand.u32 $0x70, s3;
	s4 =	sadd.s32 s4, s6  }
0x36: {  	s4 =	sor.u32 s9, s4  }
0x37: {  	[tilespmem:s4+$0xB500] =	vst v1  }
0x38: {  	[tilespmem:$0xB900] =	vst v1  }
0x39: {  	[tilespmem:$0xB910] =	vst v1  }
0x3a: {  	[tilespmem:$0xB920] =	vst v1  }
0x3b: {  	[tilespmem:$0xB930] =	vst v1  }
0x3c: {  	[tilespmem:$0xB940] =	vst v1  }
0x3d: {  	[tilespmem:$0xB950] =	vst v1  }
0x3e: {  	[tilespmem:$0xB960] =	vst v1  }
0x3f: {  	[tilespmem:$0xB970] =	vst v1  }
0x40: {  	[tilespmem:$0xB980] =	vst v1  }
0x41: {  	[tilespmem:$0xB990] =	vst v1  }
0x42: {  	[tilespmem:$0xB480] =	vst v2  }
0x43: {  	[tilespmem:$0xB490] =	vst v2  }
0x44: {  	[tilespmem:$0xB4A0] =	vst v2  }
0x45: {  	[tilespmem:$0xB4B0] =	vst v2  }
0x46: {  	[tilespmem:$0xB4C0] =	vst v2  }
0x47: {  	[tilespmem:$0xB4D0] =	vst v2  }
0x48: {  	s1 =	sadd.s32 $0x0, s7;
	[tilespmem:$0xB4E0] =	vst v2  }
0x49: {  	[spmem:s1] =	stream.linear.scatter [tilespmem:s2], [sflag:$0x4], $0x400, $0x38;
	[tilespmem:$0x1FC80] =	vst v63  }
0x4a: {  	s1 =	simm.s32 $0x1000;
	_ =	swait.ge [sflag:s20], $0x400  }
.LBB2_4:
0x4b: {  	s3 =	sshra.s32 s1, $0x2;
	[sflag:s20] =	ssyncset.done $0x0;
	p0 =	sne.s32 s1, $0x4F000  }
.Ltmp3:
0x4c: {  	s3 =	sadd.s32 s3, s7;
	[sflag:s20] =	ssyncadd.s32 $0xFFFFFC00;
	(pc) =	sbr.rel @p0 .LBB2_4-.Ltmp3, $3  }
0x4d: {  	[spmem:s3] =	stream.linear.scatter [tilespmem:s2], [sflag:$0x4], $0x400, $0x38;
	[tilespmem:$0x1FC80] =	vst v63  }
0x4e: {  	s1 =	sadd.s32 $0x1000, s1;
	_ =	sdelay $0x1  }
0x4f: {  	_ =	swait.ge [sflag:s20], $0x400  }
0x50: {  	[sflag:s20] =	ssyncset.done $0x0  }
0x51: {  	s1 =	simm.s32 $0xB900;
	[sflag:s20] =	ssyncadd.s32 $0xFFFFFC00  }
0x52: {  	[spmem:s5] =	stream.linear.scatter [tilespmem:s1], [sflag:$0x4], $0xA0, $0x38;
	[tilespmem:$0x1FC80] =	vst v63  }
0x53: {  	_ =	swait.ge [sflag:s20], $0xA0  }
0x54: {  	[sflag:s20] =	ssyncset.done $0x0  }
0x55: {  	s0 =	rddreg [dreg:$0xf];
	[sflag:s20] =	ssyncadd.s32 $0xFFFFFF60  }
0x56: {  	[spmem:s0] =	stream.linear.scatter [tilespmem:s1], [sflag:$0x4], $0xA0, $0x38;
	[tilespmem:$0x1FC80] =	vst v63  }
0x57: {  	_ =	swait.ge [sflag:s20], $0xA0  }
0x58: {  	[sflag:s20] =	ssyncset.done $0x0  }
0x59: {  	s29 =	rddreg [dreg:$0x10];
	[sflag:s20] =	ssyncadd.s32 $0xFFFFFF60  }
0x5a: {  	[spmem:s29] =	stream.linear.scatter [tilespmem:s1], [sflag:$0x4], $0xA0, $0x38;
	[tilespmem:$0x1FC80] =	vst v63  }
0x5b: {  	_ =	swait.ge [sflag:s20], $0xA0  }
0x5c: {  	[sflag:s20] =	ssyncset.done $0x0  }
0x5d: {  	s30 =	rddreg [dreg:$0x11];
	[sflag:s20] =	ssyncadd.s32 $0xFFFFFF60  }
0x5e: {  	[spmem:s30] =	stream.linear.scatter [tilespmem:s1], [sflag:$0x4], $0xA0, $0x38;
	[tilespmem:$0x1FC80] =	vst v63  }
.Ltmp4:
0x5f: {  	_ =	swait.ge [sflag:s20], $0xA0;
	(pc) =	sbr.rel .LBB2_7-.Ltmp4, $4  }
0x60: {  	[sflag:s20] =	ssyncset.done $0x0  }
0x61: {  	[sflag:s20] =	ssyncadd.s32 $0xFFFFFF60  }
0x62: {  	[bflag:$0x0] =	sbarrier.arrive $0xFFFF  }
0x63: {  	s1 =	simm.s32 $0x0  }
.LBB2_12:
0x64: {  	[sflag:s10] =	ssyncadd.s32 @!p0 $0xFFFFFF90;
	s0 =	simm.s32 @!p2 $0x70  }
0x65: {  	[tilespmem:s12], [sflag:$0x2] =	stream.indirect.gather @!p2 [hbm4b:s13+s0], $0x80, s11, s0, $0xb8;
	[tilespmem:$0x1FC80] =	vst v63  }
.LBB2_6:
0x66: {  	s1 =	rddreg [dreg:$0x16]  }
0x67: {  	p0 =	seq.s32 s1, $0xA  }
.Ltmp5:
0x68: {  	_ = 	snop;
	(pc) =	sbr.rel @p0 .LBB2_13-.Ltmp5, $1  }
0x69: {  	_ =	sdelay $0x3  }
.LBB2_7:
0x6a: {  	s2 =	simm.s32 $0x3  }
0x6b: {  	_ =	swait.ge [sflag:s2], $0x7D0  }
0x6c: {  	[sflag:s2] =	ssyncset.done $0x0  }
0x6d: {  	[sflag:s2] =	ssyncadd.s32 $0xFFFFF830  }
0x6e: {  	s0 =	sadd.s32 $0x1, s1;
	_ =	swait.ge [sflag:s2], $0x7D0  }
0x6f: {  	p0 =	seq.s32 s1, $0x9;
	s18 =	sand.u32 $0x1, s1;
	[sflag:s2] =	ssyncset.done $0x0  }
0x70: {  	s1 =	simm.s32 $0x7D0;
	[dreg:$0x16] =	wrdreg s0;
	[sflag:s2] =	ssyncadd.s32 $0xFFFFF830  }
0x71: {  	s3 =	smul.u32 @!p0 $0x7D0, s0;
	p1 =	seq.s32 s18, $0x1;
	_ =	swait.ge [sflag:s2], $0x7D0  }
0x72: {  	s9 =	simm.s32 @!p0 $0x0;
	[sflag:s2] =	ssyncset.done $0x0;
	s0 =	rddreg [dreg:$0x9]  }
0x73: {  	s1 =	simm.s32 @!p1 $0x0;
	s3 =	sadd.s32 @!p0 s0, s3;
	[sflag:s2] =	ssyncadd.s32 $0xFFFFF830  }
0x74: {  	s4 =	ssub.s32 @!p0 $0x1C50, s1;
	s3 =	sshrl.u32 @!p0 s3, $0x3;
	s0 =	rddreg [dreg:$0x1]  }
0x75: {  	s19 =	sadd.s32 $0x3480, s1;
	s6 =	sadd.s32 @!p0 s0, s3;
	s0 =	rddreg [dreg:$0x2]  }
0x76: {  	v15 =	vmov s19;
	[tilespmem:s4], [sflag:$0x3] =	stream.linear.gather @!p0 [hbm4b:s6+s9], $0x7D0, $0x38;
	[tilespmem:$0x1FC80] =	vst v63  }
0x77: {  	s6 =	ssub.s32 @!p0 $0x2C50, s1;
	s10 =	sadd.s32 @!p0 s0, s3;
	s0 =	rddreg [dreg:$0x3]  }
0x78: {  	[tilespmem:s6], [sflag:$0x3] =	stream.linear.gather @!p0 [hbm4b:s10+s9], $0x7D0, $0x38;
	[tilespmem:$0x1FC80] =	vst v63  }
0x79: {  	s2 =	simm.s32 $0x0;
	s4 =	ssub.s32 @!p0 $0x3C50, s1;
	s3 =	sadd.s32 @!p0 s0, s3  }
0x7a: {  	[tilespmem:s4], [sflag:$0x3] =	stream.linear.gather @!p0 [hbm4b:s3+s9], $0x7D0, $0x38;
	[tilespmem:$0x1FC80] =	vst v63  }
0x7b: {  	v14 =	vld.idx.msk [tilespmem:v15+s2+$0x0 ss:$0x1], $0xffff;
	_ =	sdelay $0x4  }
0x7c: {  	vm9 =	veq.s32 v14, v0  }
0x7d: {  	v14 =	vsel vm9, $0x1, v3  }
0x7e: {  	(xrf0) =	vadd.scan.msk.s32 $0xffff, v14;
	_ =	sdelay $0x1  }
0x7f: {  	s20 =	simm.s32 $0x0  }
0x80: {  	v14 =	vmov s20  }
0x81: {  	v14 =	vadd.s32 $0xFFFFFFFF, v14  }
0x82: {  	v14 =	vbroadcast v14, $0x0  }
0x83: {  	v16, _, _ =	vpop (xrf0)  }
0x84: {  	v17 =	vadd.s32 v16, v14;
	(v2sf) =	vpush v16, $0xF  }
0x85: {  	(v2sf) =	vpush v17, $0xD  }
0x86: {  	(v2sf) =	vpush v17, $0x8;
	_ =	sdelay $0x1  }
0x87: {  	(v2sf) =	vpush v17, $0xC;
	_ =	sdelay $0x1  }
0x88: {  	(v2sf) =	vpush v17, $0x0  }
0x89: {  	(v2sf) =	vpush v17, $0x2;
	_ =	sdelay $0x1  }
0x8a: {  	(v2sf) =	vpush v17, $0x9;
	_ =	sdelay $0x1  }
0x8b: {  	(v2sf) =	vpush v17, $0xA;
	_ =	sdelay $0x1  }
0x8c: {  	(v2sf) =	vpush v17, $0x1  }
0x8d: {  	(v2sf) =	vpush v17, $0x3  }
0x8e: {  	(v2sf) =	vpush v17, $0xE;
	s0 =	spop (v2sf)  }
0x8f: {  	(v2sf) =	vpush v17, $0xF;
	s21 =	spop (v2sf)  }
0x90: {  	(v2sf) =	vpush v17, $0x4;
	s28 =	spop (v2sf);
	s13 =	smulhi.u32 $0x92492493, s21  }
0x91: {  	(v2sf) =	vpush v17, $0x7;
	s20 =	sshra.s32 s21, $0x1F;
	s11 =	smulhi.u32 $0x92492493, s28  }
0x92: {  	(v2sf) =	vpush v17, $0x5;
	s29 =	spop (v2sf);
	s20 =	smul.u32 $0x92492493, s20  }
0x93: {  	s25 =	simm.s32 $0x880;
	(v2sf) =	vpush v17, $0xB;
	s12 =	sshra.s32 s28, $0x1F;
	s14 =	smulhi.u32 $0x92492493, s29  }
0x94: {  	s15 =	sshra.s32 s29, $0x1F;
	s16 =	spop (v2sf);
	s12 =	smul.u32 $0x92492493, s12  }
0x95: {  	s10 =	ssub.s32 s13, s21;
	s17 =	spop (v2sf);
	s18 =	smulhi.u32 $0x92492493, s16  }
0x96: {  	s19 =	sshra.s32 s16, $0x1F;
	s11 =	ssub.s32 s11, s28;
	s15 =	smul.u32 $0x92492493, s15  }
0x97: {  	s20 =	sadd.s32 s20, s10;
	s19 =	smul.u32 $0x92492493, s19;
	s22 =	spop (v2sf)  }
0x98: {  	s23 =	ssub.s32 s14, s29;
	s5 =	smulhi.u32 $0x92492493, s17;
	s6 =	sshra.s32 s17, $0x1F  }
0x99: {  	s30 =	smulhi.u32 $0x92492493, s22;
	s4 =	ssub.s32 s18, s16;
	s9 =	spop (v2sf)  }
0x9a: {  	s24 =	sshra.s32 s22, $0x1F;
	s7 =	smul.u32 $0x92492493, s6;
	s23 =	sadd.s32 s15, s23  }
0x9b: {  	s16 =	sadd.s32 s19, s4;
	s26 =	spop (v2sf);
	s24 =	smul.u32 $0x92492493, s24  }
0x9c: {  	s17 =	ssub.s32 s5, s17;
	s3 =	ssub.s32 s30, s22;
	s22 =	spop (v2sf)  }
0x9d: {  	s19 =	smulhi.u32 $0x92492493, s9;
	s17 =	sadd.s32 s7, s17;
	s28 =	spop (v2sf)  }
0x9e: {  	(v2sf) =	vpush v17, $0x6;
	s7 =	smulhi.u32 $0x92492493, s26;
	s5 =	sadd.s32 s24, s3;
	s24 =	spop (v2sf)  }
0x9f: {  	s8 =	sshra.s32 s28, $0x1F;
	s14 =	smulhi.u32 $0x92492493, s28;
	s4 =	spop (v2sf)  }
0xa0: {  	s30 =	sadd.s32 $0x1480, s1;
	s18 =	smul.u32 $0x92492493, s8;
	s3 =	spop (v2sf)  }
0xa1: {  	v16 =	vmov s30;
	s6 =	ssub.s32 s14, s28;
	s30 =	smulhi.u32 $0x92492493, s4;
	s21 =	spop (v2sf)  }
0xa2: {  	s14 =	sadd.s32 s12, s11;
	s29 =	smulhi.u32 $0x92492493, s21;
	s8 =	spop (v2sf)  }
0xa3: {  	s11 =	sadd.s32 s18, s6;
	s13 =	sshra.s32 s21, $0x1F;
	s18 =	smulhi.u32 $0x92492493, s8  }
0xa4: {  	s19 =	ssub.s32 s19, s9;
	s13 =	smul.u32 $0x92492493, s13;
	s15 =	sshra.s32 s8, $0x1F  }
0xa5: {  	s10 =	ssub.s32 s29, s21;
	s21 =	ssub.s32 s7, s26;
	s15 =	smul.u32 $0x92492493, s15  }
0xa6: {  	s26 =	sshra.s32 s26, $0x1F;
	s7 =	smulhi.u32 $0x92492493, s22;
	s6 =	ssub.s32 s18, s8  }
0xa7: {  	s26 =	smul.u32 $0x92492493, s26;
	s12 =	sadd.s32 s13, s10;
	s10 =	sadd.s32 $0x0, s0  }
0xa8: {  	s0 =	smulhi.u32 $0x92492493, s24;
	s18 =	ssub.s32 s30, s4;
	s4 =	sshra.s32 s4, $0x1F  }
0xa9: {  	v22 =	vmov s23;
	s29 =	sadd.s32 $0x2480, s1;
	s8 =	sshra.s32 s9, $0x1F;
	s4 =	smul.u32 $0x92492493, s4  }
0xaa: {  	v22 =	vsel vm0, s20, v22;
	v19 =	vld.idx.msk [tilespmem:v16+s2+$0x0 ss:$0x1], $0xffff;
	s20 =	sshra.s32 s3, $0x1F;
	v18 =	vmov s29;
	s15 =	sadd.s32 s15, s6;
	s28 =	smul.u32 $0x92492493, s8  }
0xab: {  	s13 =	sadd.s32 s26, s21;
	s6 =	ssub.s32 s0, s24;
	s24 =	sshra.s32 s24, $0x1F  }
0xac: {  	v14 =	vmov s16;
	s21 =	ssub.s32 s7, s22;
	s22 =	sshra.s32 s22, $0x1F;
	s9 =	smul.u32 $0x92492493, s24  }
0xad: {  	v21 =	vnsel vm3, $0x0, v14;
	v20 =	vmov s14;
	s16 =	sadd.s32 s4, s18;
	s4 =	spop (v2sf);
	s29 =	smul.u32 $0x92492493, s22  }
0xae: {  	v20 =	vsel vm0, s5, v20;
	v23 =	vsel vm0, s13, v21;
	s19 =	sadd.s32 s28, s19;
	s30 =	sshra.s32 s4, $0x1F;
	s14 =	smulhi.u32 $0x92492493, s4  }
0xaf: {  	s1 =	simm.s32 $0x40;
	v21 =	vsel vm1, s19, v20;
	v23 =	vsel vm1, s17, v23;
	v14 =	vld.idx.msk [tilespmem:v18+s2+$0x0 ss:$0x1], $0xffff;
	[tilespmem:v17+s31+$0x0] =	vst.idx.msk vm9, v19;
	s17 =	sadd.s32 s29, s21;
	s19 =	smul.u32 $0x92492493, s30  }
.LBB2_8:
0xb0: {  	p0 =	sne.s32 s1, $0x1F00  }
0xb1: {  	v19 =	vsel vm2, s17, v23;
	s13 =	smulhi.u32 $0x92492493, s3;
	s17 =	smov.u32 s1;
	s1 =	sadd.s32 $0x40, s1  }
0xb2: {  	v20 =	vsel vm1, s11, v22;
	s6 =	sadd.s32 s9, s6;
	s4 =	ssub.s32 s14, s4;
	s9 =	smul.u32 $0x92492493, s20;
	v19 =	vsel vm4, s16, v19  }
0xb3: {  	v21 =	vsel vm2, s15, v21;
	v20 =	vsel vm2, s6, v20;
	s4 =	sadd.s32 s19, s4;
	v19 =	vsel vm5, s12, v19;
	s3 =	ssub.s32 s13, s3  }
0xb4: {  	v20 =	vcombine.low v21, v20;
	v19 =	vsel vm6, s4, v19;
	s3 =	sadd.s32 s9, s3  }
0xb5: {  	v19 =	vsel vm7, s3, v19  }
0xb6: {  	v20 =	vperm.xlane v20, v4;
	v19 =	vperm.xlane v19, v6;
	_ =	sdelay $0x1  }
0xb7: {  	v19 =	vsel vm8, v19, v20  }
0xb8: {  	v19 =	vadd.s32 v17, v19  }
0xb9: {  	v20 =	vshrl.u32 v19, $0x1F;
	v19 =	vshra.s32 v19, $0x6  }
0xba: {  	v19 =	vadd.s32 v20, v19  }
0xbb: {  	v20 =	vmul.u32 $0xFFFFFF90, v19;
	_ =	sdelay $0x1  }
0xbc: {  	vm10 =	vlt.s32 v17, $0x1;
	v17 =	vadd.s32 v17, v20  }
0xbd: {  	vm11 =	vne.s32 v17, $0x0;
	vm12 =	vlt.s32 v17, $0x0;
	v20 =	vadd.s32 $0x70, v17  }
0xbe: {  	vm10 =	vmand vm10, vm11;
	v17 =	vsel vm12, v20, v17  }
0xbf: {  	v20 =	vsel vm10, $0xFFFFFFFF, v3  }
0xc0: {  	v19 =	vadd.s32 v20, v19  }
0xc1: {  	v20 =	vand.u32 $0xFFFFFF80, v17;
	v19 =	vshll.u32 v19, $0x7  }
0xc2: {  	v17 =	vand.u32 $0x7F, v17;
	v19 =	vadd.s32 v20, v19  }
0xc3: {  	v17 =	vor.u32 v17, v19;
	_ =	sdelay $0x2  }
0xc4: {  	s3 =	sshra.s32 s17, $0x2;
	_ =	sdelay $0x1  }
0xc5: {  	[tilespmem:v17+s25+$0x0] =	vst.idx.msk vm9, v14  }
0xc6: {  	v14 =	vld.idx.msk [tilespmem:v15+s3+$0x0 ss:$0x1], $0xffff;
	_ =	sdelay $0x5  }
0xc7: {  	vm9 =	veq.s32 v14, v0  }
0xc8: {  	v14 =	vsel vm9, $0x1, v3  }
0xc9: {  	(xrf0) =	vadd.scan.msk.s32 $0xffff, v14;
	_ =	sdelay $0x2  }
0xca: {  	v14 =	vmov s10  }
0xcb: {  	v14 =	vadd.s32 $0xFFFFFFFF, v14  }
0xcc: {  	v14 =	vbroadcast v14, $0x0  }
0xcd: {  	v19 =	vld.idx.msk [tilespmem:v16+s3+$0x0 ss:$0x1], $0xffff;
	v20, _, _ =	vpop (xrf0)  }
0xce: {  	v17 =	vadd.s32 v20, v14;
	(v2sf) =	vpush v20, $0xF  }
0xcf: {  	(v2sf) =	vpush v17, $0xD  }
0xd0: {  	(v2sf) =	vpush v17, $0x8  }
0xd1: {  	(v2sf) =	vpush v17, $0xC  }
0xd2: {  	v14 =	vld.idx.msk [tilespmem:v18+s3+$0x0 ss:$0x1], $0xffff;
	(v2sf) =	vpush v17, $0x0  }
0xd3: {  	[tilespmem:v17+s31+$0x0] =	vst.idx.msk vm9, v19;
	(v2sf) =	vpush v17, $0x2;
	_ =	sdelay $0x1  }
0xd4: {  	(v2sf) =	vpush v17, $0x9;
	_ =	sdelay $0x1  }
0xd5: {  	(v2sf) =	vpush v17, $0xA  }
0xd6: {  	(v2sf) =	vpush v17, $0x1;
	_ =	sdelay $0x2  }
0xd7: {  	(v2sf) =	vpush v17, $0x3  }
0xd8: {  	(v2sf) =	vpush v17, $0xE  }
0xd9: {  	s3 =	spop (v2sf)  }
0xda: {  	s10 =	sadd.s32 s10, s3;
	s4 =	spop (v2sf);
	(v2sf) =	vpush v17, $0xF  }
0xdb: {  	s11 =	smulhi.u32 $0x92492493, s4;
	s3 =	spop (v2sf);
	s17 =	sshra.s32 s4, $0x1F  }
0xdc: {  	s6 =	smulhi.u32 $0x92492493, s3;
	s16 =	sshra.s32 s3, $0x1F;
	s13 =	spop (v2sf);
	(v2sf) =	vpush v17, $0x4  }
0xdd: {  	s14 =	smulhi.u32 $0x92492493, s13;
	s12 =	sshra.s32 s13, $0x1F;
	s15 =	spop (v2sf);
	(v2sf) =	vpush v17, $0x7  }
0xde: {  	s9 =	ssub.s32 s6, s3;
	s3 =	spop (v2sf);
	(v2sf) =	vpush v17, $0x5;
	s12 =	smul.u32 $0x92492493, s12  }
0xdf: {  	s6 =	ssub.s32 s14, s13;
	s13 =	smulhi.u32 $0x92492493, s15;
	s14 =	sshra.s32 s15, $0x1F  }
0xe0: {  	s14 =	smul.u32 $0x92492493, s14;
	s18 =	spop (v2sf);
	(v2sf) =	vpush v17, $0xB  }
0xe1: {  	s19 =	smulhi.u32 $0x92492493, s18;
	s20 =	sshra.s32 s18, $0x1F;
	s13 =	ssub.s32 s13, s15  }
0xe2: {  	s13 =	sadd.s32 s14, s13;
	s14 =	smulhi.u32 $0x92492493, s3;
	s15 =	spop (v2sf)  }
0xe3: {  	s23 =	sshra.s32 s3, $0x1F;
	s22 =	smulhi.u32 $0x92492493, s15;
	v19 =	vmov s13;
	s24 =	spop (v2sf);
	(v2sf) =	vpush v17, $0x6  }
0xe4: {  	s18 =	ssub.s32 s19, s18;
	s19 =	smul.u32 $0x92492493, s20;
	s3 =	ssub.s32 s14, s3  }
0xe5: {  	s20 =	smul.u32 $0x92492493, s17;
	s13 =	ssub.s32 s22, s15;
	s15 =	sshra.s32 s15, $0x1F  }
0xe6: {  	s17 =	smul.u32 $0x92492493, s23;
	s14 =	sadd.s32 s19, s18;
	s18 =	spop (v2sf)  }
0xe7: {  	s19 =	smul.u32 $0x92492493, s16;
	s16 =	sshra.s32 s18, $0x1F;
	s22 =	spop (v2sf)  }
0xe8: {  	s17 =	sadd.s32 s17, s3;
	s3 =	smulhi.u32 $0x92492493, s18;
	s23 =	sshra.s32 s22, $0x1F  }
0xe9: {  	s4 =	ssub.s32 s11, s4;
	s26 =	smulhi.u32 $0x92492493, s22;
	s28 =	spop (v2sf)  }
0xea: {  	s23 =	smul.u32 $0x92492493, s23;
	s18 =	ssub.s32 s3, s18;
	s2 =	sshra.s32 s28, $0x1F  }
0xeb: {  	s22 =	ssub.s32 s26, s22;
	s26 =	smulhi.u32 $0x92492493, s28;
	s21 =	spop (v2sf)  }
0xec: {  	s8 =	smulhi.u32 $0x92492493, s21;
	s29 =	sshra.s32 s21, $0x1F;
	s3 =	spop (v2sf)  }
0xed: {  	s11 =	smulhi.u32 $0x92492493, s24;
	s30 =	sshra.s32 s24, $0x1F;
	s0 =	spop (v2sf)  }
0xee: {  	s30 =	smul.u32 $0x92492493, s30;
	s8 =	ssub.s32 s8, s21;
	s21 =	sshra.s32 s0, $0x1F  }
0xef: {  	s20 =	sadd.s32 s20, s4;
	s4 =	smulhi.u32 $0x92492493, s0;
	s5 =	spop (v2sf)  }
0xf0: {  	s7 =	smulhi.u32 $0x92492493, s5;
	s31 =	sshra.s32 s5, $0x1F  }
0xf1: {  	s19 =	sadd.s32 s19, s9;
	s9 =	smul.u32 $0x92492493, s2;
	s0 =	ssub.s32 s4, s0  }
0xf2: {  	s5 =	ssub.s32 s7, s5;
	s7 =	smul.u32 $0x92492493, s31;
	s4 =	spop (v2sf)  }
0xf3: {  	s24 =	ssub.s32 s11, s24;
	s21 =	smul.u32 $0x92492493, s21;
	s31 =	sshra.s32 s4, $0x1F  }
0xf4: {  	s6 =	sadd.s32 s12, s6;
	s11 =	sadd.s32 s23, s22;
	s22 =	smul.u32 $0x92492493, s29  }
.Ltmp6:
0xf5: {  	v20 =	vmov s6;
	s6 =	ssub.s32 s26, s28;
	s12 =	sadd.s32 s21, s0;
	(pc) =	sbr.rel @p0 .LBB2_8-.Ltmp6, $4  }
0xf6: {  	v19 =	vnsel vm3, $0x0, v19;
	v22 =	vsel vm0, s20, v20;
	s2 =	sadd.s32 s30, s24;
	s20 =	sshra.s32 s3, $0x1F;
	s0 =	smul.u32 $0x92492493, s15  }
0xf7: {  	v20 =	vmov s19;
	v19 =	vsel vm0, s2, v19;
	s2 =	smul.u32 $0x92492493, s16;
	s16 =	sadd.s32 s22, s8;
	s15 =	sadd.s32 s7, s5  }
0xf8: {  	v20 =	vsel vm0, s14, v20;
	s0 =	sadd.s32 s0, s13;
	s14 =	smulhi.u32 $0x92492493, s4  }
0xf9: {  	v23 =	vsel vm1, s17, v19;
	s17 =	sadd.s32 s2, s18;
	v21 =	vsel vm1, s0, v20;
	s19 =	smul.u32 $0x92492493, s31;
	s31 =	simm.s32 $0x0  }
0xfa: {  	v15 =	vadd.s32 s10, v5  }
0xfb: {  	(v2sf) =	vpush v15, $0xD  }
0xfc: {  	(v2sf) =	vpush v15, $0xC  }
0xfd: {  	(v2sf) =	vpush v15, $0xE  }
0xfe: {  	(v2sf) =	vpush v15, $0xF;
	_ =	sdelay $0x1  }
0xff: {  	(v2sf) =	vpush v15, $0x9;
	_ =	sdelay $0x1  }
0x100: {  	(v2sf) =	vpush v15, $0x8;
	_ =	sdelay $0x1  }
0x101: {  	(v2sf) =	vpush v15, $0xA;
	_ =	sdelay $0x1  }
0x102: {  	(v2sf) =	vpush v15, $0xB;
	_ =	sdelay $0x1  }
0x103: {  	(v2sf) =	vpush v15, $0x1;
	_ =	sdelay $0x1  }
0x104: {  	(v2sf) =	vpush v15, $0x0;
	s13 =	spop (v2sf)  }
0x105: {  	s0 =	sadd.s32 $0x10, s10;
	s29 =	sshra.s32 s13, $0x1F;
	s1 =	spop (v2sf)  }
0x106: {  	v16 =	vadd.s32 s0, v5;
	(v2sf) =	vpush v15, $0x2;
	s0 =	smul.u32 $0x92492493, s29;
	s18 =	spop (v2sf)  }
0x107: {  	s30 =	sshra.s32 s1, $0x1F;
	s22 =	spop (v2sf)  }
0x108: {  	[smem:$0x79D] =	sst s0;
	s0 =	smul.u32 $0x92492493, s30  }
0x109: {  	s28 =	smul.u32 $0x92492493, s20;
	s2 =	sshra.s32 s18, $0x1F;
	s20 =	spop (v2sf)  }
0x10a: {  	(v2sf) =	vpush v15, $0x3;
	[smem:$0x79E] =	sst s0;
	s0 =	smul.u32 $0x92492493, s2  }
0x10b: {  	(v2sf) =	vpush v15, $0x4;
	s7 =	sshra.s32 s20, $0x1F;
	s23 =	spop (v2sf)  }
0x10c: {  	(v2sf) =	vpush v15, $0x5;
	[smem:$0x79F] =	sst s0;
	s0 =	smul.u32 $0x92492493, s7  }
0x10d: {  	(v2sf) =	vpush v15, $0x6;
	s8 =	sshra.s32 s23, $0x1F;
	s24 =	spop (v2sf)  }
0x10e: {  	[smem:$0x7A0] =	sst s0;
	s0 =	smul.u32 $0x92492493, s8  }
0x10f: {  	(v2sf) =	vpush v15, $0x7;
	s21 =	sshra.s32 s24, $0x1F;
	s26 =	spop (v2sf)  }
0x110: {  	[smem:$0x7A1] =	sst s0;
	s0 =	smul.u32 $0x92492493, s21  }
0x111: {  	[smem:$0x79C] =	sst s28;
	(v2sf) =	vpush v16, $0xD;
	s28 =	spop (v2sf);
	s25 =	sshra.s32 s26, $0x1F  }
0x112: {  	[smem:$0x7A2] =	sst s0;
	s0 =	smul.u32 $0x92492493, s25  }
0x113: {  	(v2sf) =	vpush v16, $0xC;
	s2 =	spop (v2sf);
	s29 =	sshra.s32 s28, $0x1F  }
0x114: {  	s5 =	sshra.s32 s22, $0x1F;
	[smem:$0x7A3] =	sst s0;
	s0 =	smul.u32 $0x92492493, s29  }
0x115: {  	(v2sf) =	vpush v16, $0xE;
	s30 =	smul.u32 $0x92492493, s5;
	s5 =	sshra.s32 s2, $0x1F;
	s7 =	spop (v2sf)  }
0x116: {  	[smem:$0x7A5] =	sst s0;
	s0 =	smul.u32 $0x92492493, s5  }
0x117: {  	(v2sf) =	vpush v16, $0xF;
	s8 =	sshra.s32 s7, $0x1F  }
0x118: {  	[smem:$0x7A7] =	sst s0;
	s0 =	smul.u32 $0x92492493, s8  }
0x119: {  	(v2sf) =	vpush v16, $0x9;
	[smem:$0x7A4] =	sst s2;
	s29 =	spop (v2sf)  }
0x11a: {  	s21 =	spop (v2sf);
	s25 =	sshra.s32 s29, $0x1F;
	[smem:$0x7A8] =	sst s0  }
0x11b: {  	(v2sf) =	vpush v16, $0x8;
	s0 =	smul.u32 $0x92492493, s25;
	s25 =	spop (v2sf)  }
0x11c: {  	[smem:$0x7A6] =	sst s7;
	s2 =	sshra.s32 s21, $0x1F;
	s8 =	spop (v2sf)  }
0x11d: {  	[smem:$0x7AA] =	sst s0;
	s0 =	smul.u32 $0x92492493, s2  }
0x11e: {  	[smem:$0x7A9] =	sst s21;
	s5 =	sshra.s32 s25, $0x1F;
	s7 =	spop (v2sf)  }
0x11f: {  	(v2sf) =	vpush v16, $0xA;
	[smem:$0x7AB] =	sst s0;
	s0 =	smul.u32 $0x92492493, s5  }
0x120: {  	(v2sf) =	vpush v16, $0xB;
	s21 =	sshra.s32 s8, $0x1F;
	[smem:$0x7AD] =	sst s7;
	s5 =	spop (v2sf)  }
0x121: {  	[smem:$0x7AC] =	sst s0;
	s0 =	smul.u32 $0x92492493, s21  }
0x122: {  	(v2sf) =	vpush v16, $0x1;
	s2 =	sshra.s32 s7, $0x1F;
	[smem:$0x7AF] =	sst s5;
	s7 =	spop (v2sf)  }
0x123: {  	[smem:$0x7AE] =	sst s0;
	s0 =	smul.u32 $0x92492493, s2  }
0x124: {  	[smem:$0x7B0] =	sst s7;
	s21 =	sshra.s32 s5, $0x1F;
	s5 =	spop (v2sf)  }
0x125: {  	s9 =	sadd.s32 s9, s6;
	[smem:$0x7B1] =	sst s0;
	s0 =	smul.u32 $0x92492493, s21  }
0x126: {  	(v2sf) =	vpush v16, $0x0;
	[smem:$0x7B3] =	sst s5;
	s2 =	sshra.s32 s7, $0x1F;
	s21 =	spop (v2sf)  }
0x127: {  	s7 =	sshra.s32 s5, $0x1F;
	[smem:$0x7B2] =	sst s0;
	s0 =	smul.u32 $0x92492493, s2  }
0x128: {  	[smem:$0x7B5] =	sst s21;
	s5 =	sshra.s32 s21, $0x1F;
	s21 =	spop (v2sf)  }
0x129: {  	s4 =	ssub.s32 s14, s4;
	[smem:$0x7B4] =	sst s0;
	s0 =	smul.u32 $0x92492493, s7  }
0x12a: {  	[smem:$0x7D2] =	sst s9;
	s4 =	sadd.s32 s19, s4;
	s6 =	spop (v2sf)  }
0x12b: {  	s9 =	sshra.s32 s6, $0x1F;
	[smem:$0x7B6] =	sst s0;
	s0 =	smul.u32 $0x92492493, s5  }
0x12c: {  	[smem:$0x7D3] =	sst s4;
	(v2sf) =	vpush v16, $0x2;
	s2 =	smul.u32 $0x92492493, s9  }
0x12d: {  	s7 =	sshra.s32 s21, $0x1F;
	s5 =	smulhi.u32 $0x92492493, s3;
	[smem:$0x7B7] =	sst s0  }
0x12e: {  	s0 =	smul.u32 $0x92492493, s7;
	s7 =	spop (v2sf)  }
0x12f: {  	(v2sf) =	vpush v16, $0x3;
	[smem:$0x7B9] =	sst s2;
	s14 =	sshra.s32 s7, $0x1F;
	s9 =	spop (v2sf)  }
0x130: {  	[smem:$0x7B8] =	sst s0;
	s2 =	smul.u32 $0x92492493, s14  }
0x131: {  	s0 =	ssub.s32 s5, s3;
	s3 =	sld [smem:$0x79C];
	s14 =	spop (v2sf)  }
0x132: {  	s4 =	smulhi.u32 $0x92492493, s13;
	[smem:$0x7BB] =	sst s14  }
0x133: {  	s5 =	sshra.s32 s9, $0x1F;
	s19 =	sshra.s32 s14, $0x1F;
	s14 =	sld [smem:$0x79D]  }
0x134: {  	[smem:$0x7BA] =	sst s2;
	s0 =	sadd.s32 s3, s0;
	s3 =	smul.u32 $0x92492493, s5  }
0x135: {  	s5 =	spop (v2sf);
	[smem:$0x7D5] =	sst s0  }
0x136: {  	(v2sf) =	vpush v16, $0x4;
	s2 =	smulhi.u32 $0x92492493, s1;
	[smem:$0x7BD] =	sst s5  }
0x137: {  	s0 =	ssub.s32 s4, s13;
	s4 =	smul.u32 $0x92492493, s19;
	s19 =	sld [smem:$0x79E]  }
0x138: {  	[smem:$0x7BC] =	sst s3  }
0x139: {  	s1 =	ssub.s32 s2, s1;
	s0 =	sadd.s32 s14, s0;
	s14 =	sld [smem:$0x79F]  }
0x13a: {  	s2 =	smulhi.u32 $0x92492493, s18;
	s13 =	sadd.s32 $0x20, s10;
	[smem:$0x7BF] =	sst s4  }
0x13b: {  	s3 =	sshra.s32 s5, $0x1F;
	v18 =	vadd.s32 s13, v5;
	s13 =	spop (v2sf);
	[dreg:$0x18] =	wrdreg s0  }
0x13c: {  	s3 =	smul.u32 $0x92492493, s3;
	[smem:$0x7BE] =	sst s13;
	s0 =	sadd.s32 s19, s1  }
0x13d: {  	s5 =	smulhi.u32 $0x92492493, s22;
	[dreg:$0x1c] =	wrdreg s0  }
0x13e: {  	(v2sf) =	vpush v16, $0x5;
	s19 =	spop (v2sf);
	[smem:$0x7C0] =	sst s3  }
0x13f: {  	s4 =	ssub.s32 s2, s18;
	s1 =	ssub.s32 s5, s22;
	[smem:$0x7C1] =	sst s19  }
0x140: {  	s2 =	sshra.s32 s13, $0x1F;
	s1 =	sadd.s32 s30, s1;
	s30 =	sld [smem:$0x7A0]  }
0x141: {  	s2 =	smul.u32 $0x92492493, s2;
	s0 =	sadd.s32 s14, s4;
	s14 =	sld [smem:$0x7A1]  }
0x142: {  	(v2sf) =	vpush v16, $0x6;
	s18 =	smulhi.u32 $0x92492493, s20;
	[dreg:$0x17] =	wrdreg s0  }
0x143: {  	s22 =	smulhi.u32 $0x92492493, s23;
	[smem:$0x7C2] =	sst s2  }
0x144: {  	s13 =	smulhi.u32 $0x92492493, s24;
	s3 =	sshra.s32 s19, $0x1F;
	[dreg:$0x19] =	wrdreg s1  }
0x145: {  	s5 =	spop (v2sf);
	s4 =	ssub.s32 s22, s23;
	s23 =	sld [smem:$0x7A2]  }
0x146: {  	(v2sf) =	vpush v16, $0x7;
	s3 =	smul.u32 $0x92492493, s3;
	s1 =	ssub.s32 s13, s24;
	s24 =	sld [smem:$0x7A3]  }
0x147: {  	s0 =	ssub.s32 s18, s20;
	s19 =	sshra.s32 s5, $0x1F;
	s13 =	sld [smem:$0x7A5]  }
0x148: {  	s2 =	smul.u32 $0x92492493, s19;
	s0 =	sadd.s32 s30, s0;
	[smem:$0x7C3] =	sst s3  }
0x149: {  	[dreg:$0x1a] =	wrdreg s0  }
0x14a: {  	[smem:$0x7C4] =	sst s2  }
0x14b: {  	s18 =	smulhi.u32 $0x92492493, s26;
	s0 =	sadd.s32 s14, s4;
	s14 =	sld [smem:$0x7A6]  }
0x14c: {  	s20 =	smulhi.u32 $0x92492493, s28;
	s1 =	sadd.s32 s23, s1;
	[dreg:$0x1e] =	wrdreg s0  }
0x14d: {  	(v2sf) =	vpush v18, $0xD;
	s30 =	spop (v2sf);
	[dreg:$0x1d] =	wrdreg s1  }
0x14e: {  	s22 =	sshra.s32 s30, $0x1F;
	s0 =	ssub.s32 s18, s26;
	s1 =	sld [smem:$0x7A4]  }
0x14f: {  	s26 =	smul.u32 $0x92492493, s22;
	s0 =	sadd.s32 s24, s0;
	s24 =	sld [smem:$0x7A7]  }
0x150: {  	(v2sf) =	vpush v18, $0xC;
	[dreg:$0x1b] =	wrdreg s0  }
0x151: {  	s28 =	ssub.s32 s20, s28;
	[smem:$0x7C5] =	sst s26;
	s26 =	spop (v2sf)  }
0x152: {  	(v2sf) =	vpush v18, $0xE;
	s0 =	sadd.s32 s13, s28;
	s18 =	smulhi.u32 $0x92492493, s14;
	s28 =	sld [smem:$0x7A8]  }
0x153: {  	s13 =	sld [smem:$0x7A9];
	s4 =	smulhi.u32 $0x92492493, s1;
	s19 =	sshra.s32 s26, $0x1F  }
0x154: {  	[smem:$0x7D6] =	sst s0;
	s2 =	smul.u32 $0x92492493, s19  }
0x155: {  	s23 =	spop (v2sf);
	s0 =	ssub.s32 s18, s14;
	s18 =	sld [smem:$0x7AA]  }
0x156: {  	s1 =	ssub.s32 s4, s1;
	s0 =	sadd.s32 s28, s0;
	[smem:$0x7C6] =	sst s2  }
0x157: {  	(v2sf) =	vpush v18, $0xF;
	s14 =	smulhi.u32 $0x92492493, s13;
	s1 =	sadd.s32 s24, s1;
	[smem:$0x7D7] =	sst s0  }
0x158: {  	s20 =	smulhi.u32 $0x92492493, s29;
	s22 =	sshra.s32 s23, $0x1F;
	[smem:$0x7D4] =	sst s1  }
0x159: {  	s19 =	smulhi.u32 $0x92492493, s25;
	s1 =	ssub.s32 s14, s13;
	s13 =	sld [smem:$0x7AB]  }
0x15a: {  	s3 =	smul.u32 $0x92492493, s22;
	s4 =	ssub.s32 s20, s29;
	s14 =	sld [smem:$0x7AC]  }
0x15b: {  	s24 =	smulhi.u32 $0x92492493, s8;
	s0 =	sadd.s32 s18, s4;
	s4 =	sld [smem:$0x7AE]  }
0x15c: {  	s22 =	spop (v2sf);
	[smem:$0x7D8] =	sst s0;
	s0 =	ssub.s32 s19, s25  }
0x15d: {  	(v2sf) =	vpush v18, $0x9;
	s18 =	ssub.s32 s24, s8;
	s19 =	sld [smem:$0x7AD];
	s20 =	sshra.s32 s22, $0x1F  }
0x15e: {  	s8 =	sld [smem:$0x7AF];
	s29 =	smul.u32 $0x92492493, s20;
	s1 =	sadd.s32 s13, s1  }
0x15f: {  	s20 =	spop (v2sf);
	s0 =	sadd.s32 s14, s0;
	[smem:$0x7D9] =	sst s1  }
0x160: {  	s28 =	sshra.s32 s20, $0x1F;
	[smem:$0x7DA] =	sst s0  }
0x161: {  	s24 =	spop (v2sf);
	s0 =	sadd.s32 s4, s18;
	s13 =	smulhi.u32 $0x92492493, s8  }
0x162: {  	(v2sf) =	vpush v18, $0x8;
	s25 =	smul.u32 $0x92492493, s28;
	[smem:$0x7DC] =	sst s0  }
0x163: {  	s28 =	smulhi.u32 $0x92492493, s19;
	s0 =	ssub.s32 s13, s8;
	s8 =	sld [smem:$0x7B0]  }
0x164: {  	s14 =	sshra.s32 s24, $0x1F;
	s13 =	sld [smem:$0x7B2]  }
0x165: {  	s2 =	smul.u32 $0x92492493, s14;
	s1 =	ssub.s32 s28, s19;
	s19 =	sld [smem:$0x7B1]  }
0x166: {  	(v2sf) =	vpush v18, $0xA;
	[smem:$0x7C7] =	sst s3;
	s28 =	spop (v2sf)  }
0x167: {  	[smem:$0x7C8] =	sst s2;
	s2 =	smulhi.u32 $0x92492493, s8  }
0x168: {  	s0 =	sadd.s32 s13, s0;
	s13 =	sld [smem:$0x7B5];
	s1 =	sadd.s32 s19, s1  }
0x169: {  	s18 =	sshra.s32 s28, $0x1F;
	[smem:$0x7DF] =	sst s1  }
0x16a: {  	s14 =	smul.u32 $0x92492493, s18;
	s18 =	ssub.s32 s2, s8;
	s8 =	sld [smem:$0x7B4]  }
0x16b: {  	(v2sf) =	vpush v18, $0xB;
	s1 =	sld [smem:$0x7B3]  }
0x16c: {  	[smem:$0x7E0] =	sst s0;
	s19 =	spop (v2sf)  }
0x16d: {  	[smem:$0x7C9] =	sst s14;
	s14 =	smulhi.u32 $0x92492493, s13;
	s0 =	sadd.s32 s8, s18  }
0x16e: {  	s3 =	smulhi.u32 $0x92492493, s1;
	[smem:$0x7DD] =	sst s0  }
0x16f: {  	s18 =	sshra.s32 s19, $0x1F;
	s0 =	ssub.s32 s14, s13;
	s13 =	sld [smem:$0x7B6]  }
0x170: {  	s2 =	smul.u32 $0x92492493, s18;
	s14 =	sld [smem:$0x7B7]  }
0x171: {  	(v2sf) =	vpush v18, $0x1;
	s18 =	spop (v2sf);
	s1 =	ssub.s32 s3, s1  }
0x172: {  	s8 =	sshra.s32 s18, $0x1F;
	[smem:$0x7CA] =	sst s2;
	s1 =	sadd.s32 s13, s1  }
0x173: {  	s2 =	smulhi.u32 $0x92492493, s21;
	s0 =	sadd.s32 s14, s0;
	[smem:$0x7E4] =	sst s1  }
0x174: {  	(v2sf) =	vpush v18, $0x0;
	s4 =	smul.u32 $0x92492493, s8;
	[dreg:$0x1f] =	wrdreg s0  }
0x175: {  	s14 =	spop (v2sf);
	s8 =	ssub.s32 s2, s21;
	s21 =	sld [smem:$0x7B8]  }
0x176: {  	[smem:$0x7CB] =	sst s4;
	s4 =	sshra.s32 s14, $0x1F  }
0x177: {  	s2 =	smul.u32 $0x92492493, s4;
	s4 =	sld [smem:$0x7BB]  }
0x178: {  	s13 =	smulhi.u32 $0x92492493, s6;
	s0 =	sadd.s32 s21, s8;
	s8 =	sld [smem:$0x7B9]  }
0x179: {  	(v2sf) =	vpush v18, $0x2;
	s3 =	smulhi.u32 $0x92492493, s7;
	[smem:$0x7CC] =	sst s2  }
0x17a: {  	s1 =	ssub.s32 s13, s6;
	s13 =	spop (v2sf);
	s21 =	sld [smem:$0x7BA]  }
0x17b: {  	s6 =	smulhi.u32 $0x92492493, s9;
	[smem:$0x7E5] =	sst s0;
	s1 =	sadd.s32 s8, s1  }
0x17c: {  	(v2sf) =	vpush v18, $0x3;
	s0 =	ssub.s32 s3, s7;
	s7 =	sshra.s32 s13, $0x1F;
	[smem:$0x7E2] =	sst s1  }
0x17d: {  	s1 =	smul.u32 $0x92492493, s7;
	s7 =	sld [smem:$0x7BC]  }
0x17e: {  	s0 =	sadd.s32 s21, s0;
	s8 =	sld [smem:$0x7BD]  }
0x17f: {  	s3 =	ssub.s32 s6, s9;
	s6 =	smulhi.u32 $0x92492493, s4;
	[smem:$0x7E7] =	sst s0  }
0x180: {  	s9 =	spop (v2sf);
	[smem:$0x7CD] =	sst s1;
	s0 =	sadd.s32 s7, s3  }
0x181: {  	s21 =	smulhi.u32 $0x92492493, s8;
	s7 =	sshra.s32 s9, $0x1F;
	[smem:$0x7E9] =	sst s0  }
0x182: {  	s1 =	ssub.s32 s6, s4;
	s2 =	smul.u32 $0x92492493, s7;
	s7 =	sld [smem:$0x7BE]  }
0x183: {  	s6 =	spop (v2sf);
	s0 =	ssub.s32 s21, s8;
	s8 =	sld [smem:$0x7BF]  }
0x184: {  	s3 =	sshra.s32 s6, $0x1F;
	s21 =	sld [smem:$0x7C0]  }
0x185: {  	(v2sf) =	vpush v18, $0x4;
	s4 =	smul.u32 $0x92492493, s3;
	s3 =	sld [smem:$0x7C1]  }
0x186: {  	[smem:$0x7CE] =	sst s2  }
0x187: {  	(v2sf) =	vpush v18, $0x5;
	s2 =	smulhi.u32 $0x92492493, s7;
	s1 =	sadd.s32 s8, s1;
	s8 =	sld [smem:$0x7C2]  }
0x188: {  	[smem:$0x7CF] =	sst s4;
	s4 =	spop (v2sf);
	s0 =	sadd.s32 s21, s0  }
0x189: {  	[smem:$0x7DE] =	sst s1;
	s1 =	smulhi.u32 $0x92492493, s3;
	s7 =	ssub.s32 s2, s7  }
0x18a: {  	s21 =	smulhi.u32 $0x92492493, s5;
	[smem:$0x7DB] =	sst s0;
	s0 =	sadd.s32 s8, s7  }
0x18b: {  	s7 =	sshra.s32 s4, $0x1F;
	s1 =	ssub.s32 s1, s3;
	s3 =	spop (v2sf)  }
0x18c: {  	[smem:$0x7E1] =	sst s0;
	s2 =	smul.u32 $0x92492493, s7  }
0x18d: {  	(v2sf) =	vpush v18, $0x6;
	s0 =	ssub.s32 s21, s5;
	s8 =	sshra.s32 s3, $0x1F;
	s21 =	sld [smem:$0x7C3]  }
0x18e: {  	s7 =	sld [smem:$0x7C4];
	s8 =	smul.u32 $0x92492493, s8  }
0x18f: {  	s5 =	smulhi.u32 $0x92492493, s22;
	[smem:$0x7D0] =	sst s2  }
0x190: {  	[smem:$0x7D1] =	sst s8  }
0x191: {  	s2 =	smulhi.u32 $0x92492493, s30;
	s22 =	ssub.s32 s5, s22;
	s8 =	sld [smem:$0x7C5]  }
0x192: {  	s1 =	sadd.s32 s21, s1;
	s0 =	sadd.s32 s7, s0;
	s7 =	sadd.s32 $0x30, s10  }
0x193: {  	[smem:$0x7E3] =	sst s1;
	s21 =	ssub.s32 s2, s30;
	s30 =	smulhi.u32 $0x92492493, s26  }
0x194: {  	[smem:$0x7E6] =	sst s0;
	s1 =	spop (v2sf);
	s0 =	sadd.s32 s8, s21  }
0x195: {  	s21 =	smulhi.u32 $0x92492493, s23;
	s2 =	ssub.s32 s30, s26;
	s30 =	sld [smem:$0x7C6]  }
0x196: {  	s22 =	sadd.s32 s29, s22;
	s29 =	smulhi.u32 $0x92492493, s28;
	v19 =	vadd.s32 s7, v5;
	s7 =	spop (v2sf)  }
0x197: {  	(v2sf) =	vpush v18, $0x7;
	s26 =	sshra.s32 s1, $0x1F;
	[smem:$0x7E8] =	sst s0;
	s0 =	ssub.s32 s21, s23  }
0x198: {  	s21 =	sld [smem:$0x7C7];
	s23 =	smulhi.u32 $0x92492493, s20;
	s2 =	sadd.s32 s30, s2  }
0x199: {  	[smem:$0x7EA] =	sst s2;
	s2 =	smul.u32 $0x92492493, s26  }
0x19a: {  	v27 =	vsel vm2, s15, v21;
	s15 =	sld [smem:$0x7D3];
	s30 =	sshra.s32 s7, $0x1F;
	s26 =	smulhi.u32 $0x92492493, s24  }
0x19b: {  	s5 =	ssub.s32 s23, s20;
	s0 =	sadd.s32 s21, s0;
	s21 =	sld [smem:$0x7C8]  }
0x19c: {  	(v2sf) =	vpush v19, $0xD;
	s20 =	spop (v2sf);
	s5 =	sadd.s32 s25, s5;
	s25 =	sld [smem:$0x7C9]  }
0x19d: {  	s23 =	ssub.s32 s29, s28;
	s28 =	smulhi.u32 $0x92492493, s14;
	[smem:$0x7EC] =	sst s0  }
0x19e: {  	s29 =	sshra.s32 s20, $0x1F;
	[smem:$0x7EB] =	sst s5;
	s5 =	smul.u32 $0x92492493, s30  }
0x19f: {  	s0 =	ssub.s32 s26, s24;
	s24 =	smulhi.u32 $0x92492493, s19;
	s30 =	sld [smem:$0x7CA]  }
0x1a0: {  	(v2sf) =	vpush v19, $0xC;
	s26 =	smulhi.u32 $0x92492493, s18;
	s0 =	sadd.s32 s21, s0;
	s21 =	sld [smem:$0x7CB]  }
0x1a1: {  	s8 =	ssub.s32 s24, s19;
	s24 =	smulhi.u32 $0x92492493, s13;
	[smem:$0x7ED] =	sst s0  }
0x1a2: {  	s0 =	sadd.s32 s25, s23;
	s8 =	sadd.s32 s30, s8;
	s25 =	sld [smem:$0x7CC]  }
0x1a3: {  	s23 =	ssub.s32 s28, s14;
	s28 =	smulhi.u32 $0x92492493, s6;
	[smem:$0x7F3] =	sst s0  }
0x1a4: {  	(v2sf) =	vpush v19, $0xE;
	[smem:$0x7F1] =	sst s8;
	s0 =	ssub.s32 s26, s18;
	s8 =	smul.u32 $0x92492493, s29  }
0x1a5: {  	s30 =	sld [smem:$0x7CD];
	s26 =	smulhi.u32 $0x92492493, s9;
	s0 =	sadd.s32 s21, s0  }
0x1a6: {  	s18 =	spop (v2sf);
	s13 =	ssub.s32 s24, s13;
	[smem:$0x7EF] =	sst s0  }
0x1a7: {  	s24 =	ssub.s32 s28, s6;
	s0 =	sadd.s32 s25, s23;
	s23 =	sld [smem:$0x7CE]  }
0x1a8: {  	(v2sf) =	vpush v19, $0xF;
	s28 =	smulhi.u32 $0x92492493, s3;
	s13 =	sadd.s32 s30, s13;
	[smem:$0x7F4] =	sst s0  }
0x1a9: {  	s29 =	sshra.s32 s18, $0x1F;
	s25 =	smulhi.u32 $0x92492493, s4;
	[smem:$0x7F6] =	sst s13  }
0x1aa: {  	s0 =	ssub.s32 s26, s9;
	s9 =	smul.u32 $0x92492493, s29;
	s26 =	sld [smem:$0x7CF]  }
0x1ab: {  	(v2sf) =	vpush v19, $0x9;
	s29 =	smulhi.u32 $0x92492493, s1;
	s14 =	spop (v2sf)  }
0x1ac: {  	s4 =	ssub.s32 s25, s4;
	s0 =	sadd.s32 s23, s0;
	s30 =	sshra.s32 s14, $0x1F  }
0x1ad: {  	(v2sf) =	vpush v19, $0x8;
	[smem:$0x7EE] =	sst s0;
	s0 =	ssub.s32 s28, s3;
	s3 =	smul.u32 $0x92492493, s30  }
0x1ae: {  	s23 =	sld [smem:$0x7D0];
	s13 =	sadd.s32 s26, s24;
	s26 =	smulhi.u32 $0x92492493, s7  }
0x1af: {  	s25 =	ssub.s32 s29, s1;
	s29 =	spop (v2sf);
	s28 =	smulhi.u32 $0x92492493, s20  }
0x1b0: {  	v23 =	vsel vm2, s17, v23;
	(v2sf) =	vpush v19, $0xA;
	s24 =	sld [smem:$0x7D1];
	s30 =	smulhi.u32 $0x92492493, s18  }
0x1b1: {  	v23 =	vsel vm4, s16, v23;
	s16 =	sld [smem:$0x7D4];
	s21 =	smulhi.u32 $0x92492493, s29  }
0x1b2: {  	s4 =	sadd.s32 s23, s4;
	s1 =	ssub.s32 s26, s7;
	s7 =	sshra.s32 s29, $0x1F  }
0x1b3: {  	s23 =	spop (v2sf);
	s0 =	sadd.s32 s24, s0;
	s1 =	sadd.s32 s5, s1  }
0x1b4: {  	(v2sf) =	vpush v19, $0xB;
	s24 =	smulhi.u32 $0x92492493, s23;
	[smem:$0x7F2] =	sst s0;
	s0 =	sadd.s32 s2, s25  }
0x1b5: {  	[smem:$0x7F7] =	sst s1;
	s1 =	smul.u32 $0x92492493, s7;
	s25 =	sshra.s32 s23, $0x1F  }
0x1b6: {  	(v2sf) =	vpush v19, $0x1;
	[smem:$0x7F5] =	sst s0;
	s0 =	ssub.s32 s28, s20;
	s20 =	smulhi.u32 $0x92492493, s14  }
0x1b7: {  	s19 =	ssub.s32 s30, s18;
	s26 =	smul.u32 $0x92492493, s25;
	s28 =	spop (v2sf)  }
0x1b8: {  	(v2sf) =	vpush v19, $0x0;
	[smem:$0x7F0] =	sst s4;
	s0 =	sadd.s32 s8, s0;
	s30 =	smulhi.u32 $0x92492493, s28  }
0x1b9: {  	s7 =	sshra.s32 s28, $0x1F;
	[smem:$0x7F8] =	sst s0;
	s0 =	sadd.s32 s9, s19  }
0x1ba: {  	(v2sf) =	vpush v19, $0x2;
	s4 =	ssub.s32 s20, s14;
	s9 =	spop (v2sf);
	[smem:$0x7FA] =	sst s0  }
0x1bb: {  	(v2sf) =	vpush v19, $0x3;
	s3 =	sadd.s32 s3, s4;
	s0 =	ssub.s32 s21, s29;
	s29 =	ssub.s32 s24, s23  }
0x1bc: {  	s8 =	ssub.s32 s30, s28;
	s14 =	spop (v2sf);
	s18 =	smulhi.u32 $0x92492493, s9  }
0x1bd: {  	s19 =	sshra.s32 s9, $0x1F;
	s6 =	sadd.s32 s1, s0;
	s0 =	smul.u32 $0x92492493, s7  }
0x1be: {  	(v2sf) =	vpush v19, $0x4;
	[smem:$0x7F9] =	sst s3;
	s3 =	sadd.s32 s26, s29;
	s20 =	smul.u32 $0x92492493, s19  }
0x1bf: {  	s21 =	sshra.s32 s14, $0x1F;
	s23 =	spop (v2sf);
	s24 =	smulhi.u32 $0x92492493, s14  }
0x1c0: {  	(v2sf) =	vpush v19, $0x5;
	s30 =	sadd.s32 $0x40, s10;
	[smem:$0x7FB] =	sst s3;
	s1 =	smul.u32 $0x92492493, s21  }
0x1c1: {  	(v2sf) =	vpush v19, $0x6;
	s2 =	ssub.s32 s18, s9;
	s25 =	sshra.s32 s23, $0x1F;
	s7 =	smulhi.u32 $0x92492493, s23  }
0x1c2: {  	s0 =	sadd.s32 s0, s8;
	s28 =	smul.u32 $0x92492493, s25;
	s3 =	ssub.s32 s24, s14  }
0x1c3: {  	(v2sf) =	vpush v19, $0x7;
	[smem:$0x7FC] =	sst s0;
	s0 =	sadd.s32 s20, s2;
	s26 =	spop (v2sf)  }
0x1c4: {  	s24 =	sadd.s32 s1, s3;
	s29 =	sshra.s32 s26, $0x1F;
	s20 =	smulhi.u32 $0x92492493, s26  }
0x1c5: {  	s1 =	ssub.s32 s7, s23;
	s14 =	spop (v2sf);
	s2 =	smul.u32 $0x92492493, s29  }
0x1c6: {  	[smem:$0x7FD] =	sst s0;
	s21 =	sshra.s32 s14, $0x1F;
	s29 =	smulhi.u32 $0x92492493, s14  }
0x1c7: {  	s18 =	sadd.s32 s28, s1;
	s9 =	spop (v2sf);
	s23 =	smul.u32 $0x92492493, s21  }
0x1c8: {  	v20 =	vadd.s32 s30, v5;
	s25 =	sshra.s32 s9, $0x1F;
	s26 =	ssub.s32 s20, s26;
	s30 =	smulhi.u32 $0x92492493, s9  }
0x1c9: {  	s28 =	smul.u32 $0x92492493, s25;
	s20 =	sadd.s32 s2, s26;
	s2 =	spop (v2sf)  }
0x1ca: {  	s0 =	ssub.s32 s29, s14;
	s19 =	sshra.s32 s2, $0x1F;
	s8 =	spop (v2sf)  }
0x1cb: {  	s14 =	sadd.s32 s23, s0;
	s23 =	ssub.s32 s30, s9;
	s26 =	smulhi.u32 $0x92492493, s2  }
0x1cc: {  	(v2sf) =	vpush v20, $0xD;
	s3 =	smul.u32 $0x92492493, s19;
	s21 =	sshra.s32 s8, $0x1F;
	s19 =	sadd.s32 s28, s23  }
0x1cd: {  	(v2sf) =	vpush v20, $0xC;
	s28 =	smulhi.u32 $0x92492493, s8;
	s1 =	spop (v2sf);
	s0 =	ssub.s32 s26, s2  }
0x1ce: {  	s25 =	smul.u32 $0x92492493, s21;
	s29 =	sshra.s32 s1, $0x1F;
	s23 =	sadd.s32 s3, s0  }
0x1cf: {  	s8 =	ssub.s32 s28, s8;
	s21 =	smulhi.u32 $0x92492493, s1;
	s9 =	spop (v2sf)  }
0x1d0: {  	s2 =	smul.u32 $0x92492493, s29;
	s30 =	sshra.s32 s9, $0x1F;
	s4 =	spop (v2sf)  }
0x1d1: {  	s0 =	ssub.s32 s21, s1;
	s21 =	rddreg [dreg:$0x1c];
	s3 =	smul.u32 $0x92492493, s30  }
0x1d2: {  	(v2sf) =	vpush v20, $0xE;
	s28 =	sadd.s32 s25, s8;
	s8 =	spop (v2sf);
	s30 =	sld [smem:$0x7D2]  }
0x1d3: {  	(v2sf) =	vpush v20, $0xF;
	s26 =	sshra.s32 s4, $0x1F;
	s17 =	smulhi.u32 $0x92492493, s4;
	v24 =	vmov s21;
	s21 =	sld [smem:$0x7D7]  }
0x1d4: {  	s1 =	smul.u32 $0x92492493, s26;
	s29 =	sshra.s32 s8, $0x1F;
	s26 =	sld [smem:$0x7D5]  }
0x1d5: {  	v22 =	vsel vm1, s11, v22;
	s11 =	sadd.s32 s2, s0;
	s2 =	smul.u32 $0x92492493, s29;
	s29 =	rddreg [dreg:$0x18]  }
0x1d6: {  	s0 =	ssub.s32 s17, s4;
	s17 =	rddreg [dreg:$0x1e]  }
0x1d7: {  	v22 =	vsel vm2, s30, v22;
	s30 =	sld [smem:$0x7D6]  }
0x1d8: {  	v23 =	vsel vm5, s12, v23;
	s25 =	smulhi.u32 $0x92492493, s9;
	v43 =	vsel vm0, s29, v24;
	s29 =	rddreg [dreg:$0x1a]  }
0x1d9: {  	v41 =	vsel vm6, s15, v23;
	(v2sf) =	vpush v20, $0x9;
	v44 =	vmov s17;
	s17 =	rddreg [dreg:$0x1d]  }
0x1da: {  	s12 =	ssub.s32 s25, s9;
	s5 =	smulhi.u32 $0x92492493, s8;
	v30 =	vsel vm7, s26, v41;
	s26 =	rddreg [dreg:$0x17]  }
0x1db: {  	v42 =	vmov s16;
	s12 =	sadd.s32 s3, s12;
	s3 =	spop (v2sf);
	v24 =	vsel vm0, s29, v44;
	s29 =	sld [smem:$0x7DB]  }
0x1dc: {  	v23 =	vnsel vm3, $0x0, v42;
	s15 =	sadd.s32 s1, s0;
	s9 =	spop (v2sf);
	v21 =	vsel vm1, s26, v43;
	s26 =	sld [smem:$0x7DA]  }
0x1dd: {  	s25 =	sshra.s32 s3, $0x1F;
	s7 =	smulhi.u32 $0x92492493, s3;
	v23 =	vsel vm0, s30, v23;
	s30 =	sld [smem:$0x7D8]  }
0x1de: {  	(v2sf) =	vpush v20, $0x8;
	s4 =	smul.u32 $0x92492493, s25;
	s25 =	ssub.s32 s5, s8;
	s8 =	rddreg [dreg:$0x19]  }
0x1df: {  	s16 =	sshra.s32 s9, $0x1F;
	s5 =	smulhi.u32 $0x92492493, s9;
	v23 =	vsel vm1, s21, v23;
	s21 =	sld [smem:$0x7D9]  }
0x1e0: {  	s1 =	smul.u32 $0x92492493, s16;
	s16 =	sadd.s32 s2, s25;
	v46 =	vmov s29;
	s29 =	sld [smem:$0x7DD]  }
0x1e1: {  	s0 =	ssub.s32 s7, s3;
	s7 =	sld [smem:$0x7DF];
	s2 =	spop (v2sf);
	v23 =	vsel vm2, s30, v23  }
0x1e2: {  	v32 =	vsel vm2, s8, v21;
	s25 =	sshra.s32 s2, $0x1F;
	s8 =	spop (v2sf);
	v23 =	vsel vm4, s21, v23;
	s21 =	rddreg [dreg:$0x1b]  }
0x1e3: {  	(v2sf) =	vpush v20, $0xA;
	s3 =	smul.u32 $0x92492493, s25;
	s25 =	sld [smem:$0x7DC]  }
0x1e4: {  	(v2sf) =	vpush v20, $0xB;
	s30 =	sshra.s32 s8, $0x1F;
	v49 =	vmov s29;
	s29 =	sld [smem:$0x7E2]  }
0x1e5: {  	v23 =	vsel vm5, s26, v23;
	s26 =	ssub.s32 s5, s9;
	s5 =	smul.u32 $0x92492493, s30;
	s30 =	sld [smem:$0x7DE]  }
0x1e6: {  	v45 =	vsel vm1, s17, v24;
	s9 =	sld [smem:$0x7E0]  }
0x1e7: {  	s17 =	sadd.s32 s4, s0;
	v48 =	vnsel vm3, $0x0, v46;
	s0 =	smulhi.u32 $0x92492493, s2;
	v33 =	vsel vm2, s21, v45;
	s21 =	sld [smem:$0x7E1]  }
0x1e8: {  	s26 =	sadd.s32 s1, s26;
	s1 =	spop (v2sf);
	v47 =	vsel vm6, s25, v23;
	v23 =	vsel vm0, s30, v48;
	s30 =	sld [smem:$0x7E3]  }
0x1e9: {  	s25 =	sshra.s32 s1, $0x1F;
	v51 =	vmov s29;
	s29 =	sld [smem:$0x7E5]  }
0x1ea: {  	s0 =	ssub.s32 s0, s2;
	s2 =	smul.u32 $0x92492493, s25;
	s25 =	sld [smem:$0x7E4];
	v23 =	vsel vm1, s21, v23  }
0x1eb: {  	v23 =	vsel vm2, s30, v23;
	s30 =	sld [smem:$0x7E6]  }
0x1ec: {  	v34 =	vsel vm7, s7, v47;
	s7 =	smulhi.u32 $0x92492493, s8  }
0x1ed: {  	s4 =	sadd.s32 s3, s0;
	v50 =	vsel vm0, s9, v49;
	s21 =	spop (v2sf);
	v24 =	vsel vm0, s29, v51;
	s29 =	sld [smem:$0x7E7]  }
0x1ee: {  	s9 =	sshra.s32 s21, $0x1F;
	v21 =	vsel vm1, s25, v50;
	s25 =	ssub.s32 s7, s8;
	v23 =	vsel vm4, s30, v23;
	s30 =	sld [smem:$0x7E8]  }
0x1ef: {  	s3 =	smul.u32 $0x92492493, s9;
	s9 =	sadd.s32 s5, s25;
	s25 =	sld [smem:$0x7E9]  }
0x1f0: {  	(v2sf) =	vpush v20, $0x1;
	v24 =	vsel vm1, s29, v24;
	s29 =	sld [smem:$0x7EA]  }
0x1f1: {  	v25 =	vsel vm5, s30, v23;
	s30 =	sld [smem:$0x7EB]  }
0x1f2: {  	s0 =	smulhi.u32 $0x92492493, s1;
	s5 =	spop (v2sf)  }
0x1f3: {  	v52 =	vsel vm6, s29, v25;
	s29 =	spop (v2sf)  }
0x1f4: {  	s0 =	ssub.s32 s0, s1;
	v31 =	vsel vm2, s25, v24;
	s25 =	sshra.s32 s29, $0x1F;
	v53 =	vmov s30;
	s30 =	sld [smem:$0x7EC]  }
0x1f5: {  	(v2sf) =	vpush v20, $0x0;
	v54 =	vsel vm0, s22, v53;
	s22 =	sadd.s32 s2, s0;
	s2 =	smul.u32 $0x92492493, s25;
	s25 =	sld [smem:$0x7EE]  }
0x1f6: {  	v26 =	vmov s13;
	(v2sf) =	vpush v20, $0x2  }
0x1f7: {  	v55 =	vnsel vm3, $0x0, v26;
	(v2sf) =	vpush v20, $0x3;
	v25 =	vsel vm7, s30, v52;
	s30 =	sld [smem:$0x7EF]  }
0x1f8: {  	v57 =	vsel vm0, s25, v55;
	s25 =	sld [smem:$0x7F0]  }
0x1f9: {  	s8 =	rddreg [dreg:$0x1f]  }
0x1fa: {  	s7 =	smulhi.u32 $0x92492493, s21;
	v58 =	vmov s30;
	s30 =	sld [smem:$0x7F1]  }
0x1fb: {  	(v2sf) =	vpush v20, $0x4;
	v28 =	vsel vm1, s25, v57;
	s25 =	sld [smem:$0x7F2]  }
0x1fc: {  	s0 =	ssub.s32 s7, s21;
	s21 =	sld [smem:$0x7ED]  }
0x1fd: {  	(v2sf) =	vpush v20, $0x5;
	v23 =	vsel vm2, s8, v21;
	s8 =	sshra.s32 s5, $0x1F;
	v24 =	vsel vm0, s30, v58;
	s30 =	sld [smem:$0x7F3]  }
0x1fe: {  	s1 =	smul.u32 $0x92492493, s8;
	v28 =	vsel vm2, s25, v28;
	s25 =	sld [smem:$0x7F4]  }
0x1ff: {  	s13 =	sadd.s32 $0x50, s10;
	(v2sf) =	vpush v20, $0x6;
	s8 =	spop (v2sf);
	s7 =	smulhi.u32 $0x92492493, s5;
	v56 =	vsel vm1, s21, v54  }
0x200: {  	s3 =	sadd.s32 s3, s0;
	s0 =	smulhi.u32 $0x92492493, s29;
	v26 =	vsel vm2, s30, v56;
	s30 =	sld [smem:$0x7F5]  }
0x201: {  	v21 =	vadd.s32 s13, v5;
	(v2sf) =	vpush v20, $0x7;
	s13 =	sshra.s32 s8, $0x1F;
	v24 =	vsel vm1, s25, v24;
	s25 =	sld [smem:$0x7F6]  }
0x202: {  	s5 =	ssub.s32 s7, s5;
	s7 =	smul.u32 $0x92492493, s13;
	s0 =	ssub.s32 s0, s29  }
0x203: {  	v35 =	vmov s19;
	s29 =	smulhi.u32 $0x92492493, s8;
	s1 =	sadd.s32 s1, s5;
	s5 =	sld [smem:$0x7F8]  }
0x204: {  	(v2sf) =	vpush v21, $0xD;
	s21 =	spop (v2sf);
	v29 =	vsel vm4, s30, v28;
	v28 =	vsel vm2, s25, v24;
	s25 =	sld [smem:$0x7F7]  }
0x205: {  	v35 =	vnsel vm3, $0x0, v35;
	s13 =	sadd.s32 s2, s0;
	s19 =	ssub.s32 s29, s8;
	s8 =	spop (v2sf)  }
0x206: {  	v35 =	vsel vm0, s14, v35;
	(v2sf) =	vpush v21, $0xC;
	s2 =	smulhi.u32 $0x92492493, s8;
	s14 =	spop (v2sf);
	s30 =	sshra.s32 s21, $0x1F  }
0x207: {  	v60 =	vmov s6;
	s6 =	sadd.s32 s7, s19;
	s0 =	smul.u32 $0x92492493, s30;
	s30 =	sld [smem:$0x7FA];
	v59 =	vsel vm5, s25, v29  }
0x208: {  	(v2sf) =	vpush v21, $0xE;
	s29 =	sshra.s32 s8, $0x1F;
	s25 =	sld [smem:$0x7F9];
	v24 =	vsel vm6, s5, v59;
	s5 =	smulhi.u32 $0x92492493, s21  }
0x209: {  	v62 =	vmov s24;
	v35 =	vsel vm1, s23, v35;
	s7 =	smul.u32 $0x92492493, s29;
	s29 =	sld [smem:$0x7FC];
	s23 =	sshra.s32 s14, $0x1F  }
0x20a: {  	v35 =	vsel vm2, s28, v35;
	(v2sf) =	vpush v21, $0xF;
	s24 =	spop (v2sf);
	v29 =	vsel vm7, s30, v24;
	s30 =	smulhi.u32 $0x92492493, s14;
	s5 =	ssub.s32 s5, s21  }
0x20b: {  	v35 =	vsel vm4, s11, v35;
	s28 =	smulhi.u32 $0x92492493, s24;
	v36 =	vsel vm0, s25, v60;
	s25 =	sld [smem:$0x7FB];
	s19 =	sadd.s32 s0, s5  }
0x20c: {  	v35 =	vsel vm5, s12, v35;
	s5 =	smul.u32 $0x92492493, s23;
	s0 =	ssub.s32 s30, s14;
	s30 =	spop (v2sf)  }
0x20d: {  	v22 =	vcombine.low v27, v22;
	v35 =	vsel vm6, s15, v35;
	(v2sf) =	vpush v21, $0x9;
	s2 =	ssub.s32 s2, s8;
	s15 =	smulhi.u32 $0x92492493, s30  }
0x20e: {  	v40 =	vperm.xlane v30, v6;
	s11 =	sadd.s32 s7, s2;
	s23 =	spop (v2sf);
	v61 =	vsel vm1, s25, v36;
	s25 =	sld [smem:$0x7FD]  }
0x20f: {  	v22 =	vperm.xlane v22, v4;
	v32 =	vcombine.low v33, v32;
	s2 =	ssub.s32 s28, s24;
	v24 =	vsel vm2, s29, v61;
	s29 =	sshra.s32 s24, $0x1F;
	s24 =	smulhi.u32 $0x92492493, s23  }
0x210: {  	v41 =	vmov s26;
	(v2sf) =	vpush v21, $0x8;
	s12 =	sadd.s32 s5, s0;
	s26 =	spop (v2sf);
	s7 =	smul.u32 $0x92492493, s29  }
0x211: {  	v22 =	vsel vm8, v40, v22;
	v32 =	vperm.xlane v32, v4;
	s0 =	ssub.s32 s15, s30;
	s28 =	smulhi.u32 $0x92492493, s26;
	v63 =	vsel vm0, s25, v62;
	s25 =	sshra.s32 s23, $0x1F  }
0x212: {  	v34 =	vperm.xlane v34, v6;
	(v2sf) =	vpush v21, $0xA;
	v27 =	vsel vm1, s18, v63;
	s18 =	sshra.s32 s30, $0x1F;
	s14 =	sadd.s32 s7, s2;
	s7 =	smul.u32 $0x92492493, s25  }
0x213: {  	s2 =	ssub.s32 s24, s23;
	s30 =	spop (v2sf);
	v30 =	vsel vm2, s20, v27;
	v27 =	vsel vm7, s16, v35;
	s5 =	smul.u32 $0x92492493, s18;
	v35 =	vsel vm0, s17, v41  }
0x214: {  	v22 =	vadd.s32 v17, v22;
	(v2sf) =	vpush v21, $0xB;
	s16 =	sshra.s32 s30, $0x1F;
	v35 =	vsel vm1, s4, v35;
	s4 =	sadd.s32 s7, s2;
	s7 =	smulhi.u32 $0x92492493, s30  }
0x215: {  	vm10 =	vlt.s32 v17, $0x1;
	v42 =	vshrl.u32 v22, $0x1F;
	v32 =	vsel vm8, v34, v32;
	s17 =	spop (v2sf);
	s2 =	smul.u32 $0x92492493, s16  }
0x216: {  	v22 =	vshra.s32 v22, $0x6;
	v32 =	vadd.s32 v15, v32;
	(v2sf) =	vpush v21, $0x1;
	s29 =	sshra.s32 s26, $0x1F;
	s18 =	smulhi.u32 $0x92492493, s17  }
0x217: {  	v23 =	vcombine.low v31, v23;
	v43 =	vmov s3;
	v46 =	vmov s19;
	s20 =	spop (v2sf);
	s3 =	sadd.s32 s5, s0;
	s5 =	smul.u32 $0x92492493, s29  }
0x218: {  	v37 =	vsel vm0, s22, v43;
	v33 =	vnsel vm3, $0x0, v46;
	(v2sf) =	vpush v21, $0x0;
	s21 =	smulhi.u32 $0x92492493, s20;
	s22 =	sshra.s32 s20, $0x1F  }
0x219: {  	v23 =	vperm.xlane v23, v4;
	v25 =	vperm.xlane v25, v6;
	v33 =	vsel vm0, s6, v33;
	s19 =	sshra.s32 s17, $0x1F;
	s23 =	spop (v2sf);
	s6 =	smul.u32 $0x92492493, s22  }
0x21a: {  	v49 =	vshrl.u32 v32, $0x1F;
	v44 =	vsel vm1, s1, v37;
	(v2sf) =	vpush v21, $0x2;
	s0 =	ssub.s32 s28, s26;
	s1 =	ssub.s32 s7, s30;
	s24 =	smulhi.u32 $0x92492493, s23  }
0x21b: {  	v23 =	vsel vm8, v25, v23;
	v36 =	vadd.s32 v42, v22;
	v22 =	vsel vm2, s9, v35;
	s25 =	sshra.s32 s23, $0x1F;
	s9 =	sadd.s32 s5, s0;
	s5 =	smul.u32 $0x92492493, s19  }
0x21c: {  	v32 =	vshra.s32 v32, $0x6;
	v23 =	vadd.s32 v16, v23;
	(v2sf) =	vpush v21, $0x3;
	s28 =	spop (v2sf);
	s1 =	sadd.s32 s2, s1;
	s26 =	smul.u32 $0x92492493, s25  }
0x21d: {  	v28 =	vcombine.low v28, v26;
	v38 =	vmul.u32 $0xFFFFFF90, v36;
	v33 =	vsel vm1, s11, v33;
	s2 =	ssub.s32 s21, s20;
	s29 =	smulhi.u32 $0x92492493, s28;
	s30 =	sshra.s32 s28, $0x1F  }
0x21e: {  	v39 =	vshrl.u32 v23, $0x1F;
	v50 =	vsel vm2, s12, v33;
	(v2sf) =	vpush v21, $0x4;
	s0 =	ssub.s32 s18, s17;
	s6 =	sadd.s32 s6, s2;
	s12 =	smul.u32 $0x92492493, s30  }
0x21f: {  	v28 =	vperm.xlane v28, v4;
	v29 =	vperm.xlane v29, v6;
	v45 =	vadd.s32 v17, v38;
	s0 =	sadd.s32 s5, s0;
	s5 =	ssub.s32 s24, s23;
	s16 =	spop (v2sf)  }
0x220: {  	v38 =	vadd.s32 v49, v32;
	vm11 =	vne.s32 v45, $0x0;
	s2 =	ssub.s32 s29, s28;
	(v2sf) =	vpush v21, $0x5;
	s17 =	smulhi.u32 $0x92492493, s16;
	s18 =	sshra.s32 s16, $0x1F  }
0x221: {  	vm12 =	vlt.s32 v45, $0x0;
	v47 =	vadd.s32 $0x70, v45;
	vm10 =	vmand vm10, vm11;
	s28 =	sadd.s32 $0x60, s10;
	s19 =	spop (v2sf);
	s8 =	smul.u32 $0x92492493, s18  }
0x222: {  	v32 =	vsel vm4, s14, v50;
	v48 =	vsel vm10, $0xFFFFFFFF, v3;
	s11 =	sadd.s32 s26, s5;
	(v2sf) =	vpush v21, $0x6;
	s20 =	smulhi.u32 $0x92492493, s19;
	s21 =	sshra.s32 s19, $0x1F  }
0x223: {  	v37 =	vsel vm12, v47, v45;
	v51 =	vadd.s32 v48, v36;
	v32 =	vsel vm5, s3, v32;
	s3 =	sadd.s32 s12, s2;
	s24 =	spop (v2sf);
	s23 =	smul.u32 $0x92492493, s21  }
0x224: {  	v53 =	vand.u32 $0xFFFFFF80, v37;
	v17 =	vshll.u32 v51, $0x7;
	(v2sf) =	vpush v21, $0x7;
	s22 =	ssub.s32 s17, s16;
	s25 =	smulhi.u32 $0x92492493, s24;
	s26 =	sshra.s32 s24, $0x1F  }
0x225: {  	v34 =	vadd.s32 v53, v17;
	v55 =	vsel vm6, s4, v32;
	v17 =	vadd.s32 s28, v5;
	s30 =	spop (v2sf);
	s4 =	sadd.s32 s8, s22;
	s29 =	smul.u32 $0x92492493, s26  }
0x226: {  	v23 =	vshra.s32 v23, $0x6;
	v28 =	vsel vm8, v29, v28;
	(v2sf) =	vpush v17, $0xD;
	s14 =	ssub.s32 s20, s19;
	s15 =	smulhi.u32 $0x92492493, s30;
	s16 =	sshra.s32 s30, $0x1F  }
0x227: {  	v28 =	vadd.s32 v18, v28;
	v33 =	vsel vm2, s13, v44;
	v58 =	vmov s0;
	s0 =	sadd.s32 s23, s14;
	s17 =	smul.u32 $0x92492493, s16;
	s18 =	spop (v2sf)  }
0x228: {  	v52 =	vmul.u32 $0xFFFFFF90, v38;
	v63 =	vadd.s32 v39, v23;
	s19 =	ssub.s32 s25, s24;
	(v2sf) =	vpush v17, $0xC;
	s20 =	smulhi.u32 $0x92492493, s18;
	s21 =	sshra.s32 s18, $0x1F  }
0x229: {  	v39 =	vmul.u32 $0xFFFFFF90, v63;
	v50 =	vshrl.u32 v28, $0x1F;
	v32 =	vsel vm7, s9, v55;
	s8 =	sadd.s32 s29, s19;
	s22 =	spop (v2sf);
	s9 =	smul.u32 $0x92492493, s21  }
0x22a: {  	v28 =	vshra.s32 v28, $0x6;
	vm10 =	vlt.s32 v15, $0x1;
	s23 =	ssub.s32 s15, s30;
	(v2sf) =	vpush v17, $0xE;
	s24 =	smulhi.u32 $0x92492493, s22;
	s25 =	sshra.s32 s22, $0x1F  }
0x22b: {  	v54 =	vadd.s32 v15, v52;
	v37 =	vand.u32 $0x7F, v37;
	v35 =	vsel vm0, s1, v58;
	s1 =	sadd.s32 s17, s23;
	s26 =	smul.u32 $0x92492493, s25;
	s28 =	spop (v2sf)  }
0x22c: {  	v28 =	vadd.s32 v50, v28;
	v24 =	vcombine.low v30, v24;
	s7 =	ssub.s32 s20, s18;
	(v2sf) =	vpush v17, $0xF;
	s29 =	smulhi.u32 $0x92492493, s28;
	s30 =	sshra.s32 s28, $0x1F  }
0x22d: {  	v27 =	vperm.xlane v27, v6;
	vm11 =	vne.s32 v54, $0x0;
	v59 =	vadd.s32 $0x70, v54;
	s7 =	sadd.s32 s9, s7;
	s15 =	spop (v2sf);
	s12 =	smul.u32 $0x92492493, s30  }
0x22e: {  	v43 =	vadd.s32 v16, v39;
	vm10 =	vmand vm10, vm11;
	s2 =	ssub.s32 s24, s22;
	(v2sf) =	vpush v17, $0x9;
	s16 =	smulhi.u32 $0x92492493, s15;
	s17 =	sshra.s32 s15, $0x1F  }
0x22f: {  	vm11 =	vne.s32 v43, $0x0;
	v49 =	vadd.s32 $0x70, v43;
	v42 =	vmov s4;
	s2 =	sadd.s32 s26, s2;
	s18 =	smul.u32 $0x92492493, s17;
	s19 =	spop (v2sf)  }
0x230: {  	v51 =	vmul.u32 $0xFFFFFF90, v28;
	v40 =	vsel vm0, s3, v42;
	s20 =	ssub.s32 s29, s28;
	(v2sf) =	vpush v17, $0x8;
	s21 =	smulhi.u32 $0x92492493, s19;
	s22 =	sshra.s32 s19, $0x1F  }
0x231: {  	v24 =	vperm.xlane v24, v4;
	v22 =	vcombine.low v33, v22;
	v44 =	vsel vm1, s0, v40;
	s0 =	sadd.s32 s12, s20;
	s24 =	spop (v2sf);
	s23 =	smul.u32 $0x92492493, s22  }
0x232: {  	v56 =	vsel vm10, $0xFFFFFFFF, v3;
	vm10 =	vlt.s32 v54, $0x0;
	s4 =	ssub.s32 s16, s15;
	(v2sf) =	vpush v17, $0xA;
	s25 =	smulhi.u32 $0x92492493, s24;
	s26 =	sshra.s32 s24, $0x1F  }
0x233: {  	v57 =	vadd.s32 v56, v38;
	v36 =	vsel vm10, v59, v54;
	v25 =	vor.u32 v37, v34;
	s4 =	sadd.s32 s18, s4;
	s29 =	spop (v2sf);
	s28 =	smul.u32 $0x92492493, s26  }
0x234: {  	vm10 =	vlt.s32 v16, $0x1;
	v52 =	vadd.s32 v18, v51;
	(v2sf) =	vpush v17, $0xB;
	s5 =	ssub.s32 s21, s19;
	s30 =	smulhi.u32 $0x92492493, s29;
	s13 =	sshra.s32 s29, $0x1F  }
0x235: {  	v24 =	vsel vm8, v27, v24;
	v22 =	vperm.xlane v22, v4;
	v47 =	vmov s7;
	s14 =	spop (v2sf);
	s5 =	sadd.s32 s23, s5;
	s7 =	smul.u32 $0x92492493, s13  }
0x236: {  	v61 =	vand.u32 $0xFFFFFF80, v36;
	v48 =	vnsel vm3, $0x0, v47;
	(v2sf) =	vpush v17, $0x1;
	s15 =	ssub.s32 s25, s24;
	s16 =	smulhi.u32 $0x92492493, s14;
	s17 =	sshra.s32 s14, $0x1F  }
0x237: {  	v62 =	vshll.u32 v57, $0x7;
	v36 =	vand.u32 $0x7F, v36;
	v29 =	vsel vm0, s1, v48;
	s1 =	sadd.s32 s28, s15;
	s18 =	smul.u32 $0x92492493, s17;
	s19 =	spop (v2sf)  }
0x238: {  	vm10 =	vmand vm10, vm11;
	vm11 =	vne.s32 v52, $0x0;
	s20 =	ssub.s32 s30, s29;
	(v2sf) =	vpush v17, $0x0;
	s21 =	smulhi.u32 $0x92492493, s19;
	s22 =	sshra.s32 s19, $0x1F  }
0x239: {  	v24 =	vadd.s32 v19, v24;
	v32 =	vperm.xlane v32, v6;
	v29 =	vsel vm1, s2, v29;
	s2 =	sadd.s32 s7, s20;
	s24 =	spop (v2sf);
	s23 =	smul.u32 $0x92492493, s22  }
0x23a: {  	v46 =	vsel vm10, $0xFFFFFFFF, v3;
	vm10 =	vlt.s32 v43, $0x0;
	s25 =	ssub.s32 s16, s14;
	(v2sf) =	vpush v17, $0x2;
	s26 =	smulhi.u32 $0x92492493, s24;
	s28 =	sshra.s32 s24, $0x1F  }
0x23b: {  	v57 =	vshrl.u32 v24, $0x1F;
	v24 =	vshra.s32 v24, $0x6;
	v60 =	vsel vm1, s6, v35;
	s3 =	sadd.s32 s18, s25;
	s29 =	smul.u32 $0x92492493, s28;
	s30 =	spop (v2sf)  }
0x23c: {  	v31 =	vsel vm2, s11, v60;
	v29 =	vsel vm2, s0, v29;
	s11 =	ssub.s32 s21, s19;
	(v2sf) =	vpush v17, $0x3;
	s13 =	smulhi.u32 $0x92492493, s30;
	s14 =	sshra.s32 s30, $0x1F  }
0x23d: {  	v34 =	vsel vm10, v49, v43;
	vm10 =	vlt.s32 v18, $0x1;
	v29 =	vsel vm4, s4, v29;
	s4 =	sadd.s32 s23, s11;
	s16 =	spop (v2sf);
	s15 =	smul.u32 $0x92492493, s14  }
0x23e: {  	v58 =	vadd.s32 $0x70, v52;
	v24 =	vadd.s32 v57, v24;
	s17 =	ssub.s32 s26, s24;
	(v2sf) =	vpush v17, $0x4;
	s18 =	smulhi.u32 $0x92492493, s16;
	s19 =	sshra.s32 s16, $0x1F  }
0x23f: {  	v22 =	vsel vm8, v32, v22;
	v35 =	vadd.s32 v61, v62;
	v53 =	vand.u32 $0xFFFFFF80, v34;
	s0 =	sadd.s32 s29, s17;
	s20 =	smul.u32 $0x92492493, s19;
	s21 =	spop (v2sf)  }
0x240: {  	vm10 =	vmand vm10, vm11;
	v54 =	vsel vm5, s5, v29;
	s22 =	ssub.s32 s13, s30;
	(v2sf) =	vpush v17, $0x5;
	s23 =	smulhi.u32 $0x92492493, s21;
	s24 =	sshra.s32 s21, $0x1F  }
0x241: {  	v37 =	vmul.u32 $0xFFFFFF90, v24;
	v34 =	vand.u32 $0x7F, v34;
	v27 =	vsel vm6, s1, v54;
	s1 =	sadd.s32 s15, s22;
	s26 =	spop (v2sf);
	s25 =	smul.u32 $0x92492493, s24  }
0x242: {  	v22 =	vadd.s32 v20, v22;
	v23 =	vor.u32 v36, v35;
	s28 =	ssub.s32 s18, s16;
	(v2sf) =	vpush v17, $0x6;
	s29 =	smulhi.u32 $0x92492493, s26;
	s30 =	sshra.s32 s26, $0x1F  }
0x243: {  	v35 =	vadd.s32 v46, v63;
	v56 =	vsel vm10, $0xFFFFFFFF, v3;
	v27 =	vsel vm7, s2, v27;
	s2 =	sadd.s32 s20, s28;
	s14 =	spop (v2sf);
	s13 =	smul.u32 $0x92492493, s30  }
0x244: {  	vm10 =	vlt.s32 v52, $0x0;
	v41 =	vshrl.u32 v22, $0x1F;
	(v2sf) =	vpush v17, $0x7;
	s15 =	ssub.s32 s23, s21;
	s16 =	smulhi.u32 $0x92492493, s14;
	s17 =	sshra.s32 s14, $0x1F  }
0x245: {  	v22 =	vshra.s32 v22, $0x6;
	v55 =	vshll.u32 v35, $0x7;
	v28 =	vadd.s32 v56, v28;
	s18 =	spop (v2sf);
	s7 =	sadd.s32 s25, s15;
	s19 =	smul.u32 $0x92492493, s17  }
0x246: {  	v30 =	vsel vm10, v58, v52;
	v59 =	vadd.s32 v19, v37;
	v60 =	vmov s4;
	s20 =	ssub.s32 s29, s26;
	s21 =	smulhi.u32 $0x92492493, s18;
	s22 =	sshra.s32 s18, $0x1F  }
0x247: {  	v22 =	vadd.s32 v41, v22;
	vm10 =	vne.s32 v59, $0x0;
	v61 =	vsel vm0, s3, v60;
	s3 =	sadd.s32 s13, s20;
	s9 =	smul.u32 $0x92492493, s22;
	s23 =	spop (v2sf)  }
0x248: {  	vm11 =	vlt.s32 v59, $0x0;
	v37 =	vadd.s32 $0x70, v59;
	v62 =	vand.u32 $0xFFFFFF80, v30;
	s24 =	ssub.s32 s16, s14;
	s25 =	smulhi.u32 $0x92492493, s23;
	s26 =	sshra.s32 s23, $0x1F  }
0x249: {  	v28 =	vshll.u32 v28, $0x7;
	v35 =	vsel vm11, v37, v59;
	vm11 =	vlt.s32 v19, $0x1;
	s4 =	sadd.s32 s19, s24;
	s28 =	spop (v2sf);
	s11 =	smul.u32 $0x92492493, s26  }
0x24a: {  	v30 =	vand.u32 $0x7F, v30;
	v28 =	vadd.s32 v62, v28;
	vm10 =	vmand vm11, vm10;
	s29 =	ssub.s32 s21, s18;
	s30 =	smulhi.u32 $0x92492493, s28;
	s13 =	sshra.s32 s28, $0x1F  }
0x24b: {  	v42 =	vand.u32 $0xFFFFFF80, v35;
	v35 =	vand.u32 $0x7F, v35;
	v40 =	vmov s7;
	s7 =	sadd.s32 s9, s29;
	s14 =	spop (v2sf);
	s12 =	smul.u32 $0x92492493, s13  }
0x24c: {  	v28 =	vor.u32 v30, v28;
	v63 =	vsel vm10, $0xFFFFFFFF, v3;
	v45 =	vsel vm2, s8, v44;
	s15 =	ssub.s32 s25, s23;
	s16 =	smulhi.u32 $0x92492493, s14;
	s17 =	sshra.s32 s14, $0x1F  }
0x24d: {  	v24 =	vadd.s32 v63, v24;
	v44 =	vmul.u32 $0xFFFFFF90, v22;
	v32 =	vsel vm0, s2, v40;
	s2 =	sadd.s32 s11, s15;
	s18 =	spop (v2sf);
	s6 =	smul.u32 $0x92492493, s17  }
0x24e: {  	v24 =	vshll.u32 v24, $0x7;
	v26 =	vcombine.low v45, v31;
	v33 =	vsel vm1, s0, v61;
	s0 =	ssub.s32 s30, s28;
	s19 =	smulhi.u32 $0x92492493, s18;
	s20 =	sshra.s32 s18, $0x1F  }
0x24f: {  	vm10 =	vlt.s32 v20, $0x1;
	v24 =	vadd.s32 v42, v24;
	v45 =	vadd.s32 v20, v44;
	s0 =	sadd.s32 s12, s0;
	s8 =	smul.u32 $0x92492493, s20;
	s21 =	spop (v2sf)  }
0x250: {  	v26 =	vperm.xlane v26, v4;
	v27 =	vperm.xlane v27, v6;
	v43 =	vmov s2;
	s5 =	ssub.s32 s16, s14;
	s22 =	smulhi.u32 $0x92492493, s21;
	s23 =	sshra.s32 s21, $0x1F  }
0x251: {  	vm11 =	vne.s32 v45, $0x0;
	v51 =	vadd.s32 $0x70, v45;
	v31 =	vnsel vm3, $0x0, v43;
	s5 =	sadd.s32 s6, s5;
	s24 =	spop (v2sf);
	s9 =	smul.u32 $0x92492493, s23  }
0x252: {  	vm10 =	vmand vm10, vm11;
	v26 =	vsel vm8, v27, v26;
	v31 =	vsel vm0, s7, v31;
	s25 =	ssub.s32 s19, s18;
	s26 =	smulhi.u32 $0x92492493, s24;
	s28 =	sshra.s32 s24, $0x1F  }
0x253: {  	v49 =	vsel vm10, $0xFFFFFFFF, v3;
	v26 =	vadd.s32 v21, v26;
	v46 =	vsel vm1, s0, v31;
	s0 =	sadd.s32 s8, s25;
	s30 =	spop (v2sf);
	s29 =	smul.u32 $0x92492493, s28  }
0x254: {  	vm10 =	vlt.s32 v45, $0x0;
	v47 =	vshrl.u32 v26, $0x1F;
	v27 =	vsel vm2, s5, v46;
	s13 =	ssub.s32 s22, s21;
	s14 =	smulhi.u32 $0x92492493, s30;
	s15 =	sshra.s32 s30, $0x1F  }
0x255: {  	v26 =	vshra.s32 v26, $0x6;
	v32 =	vsel vm1, s3, v32;
	v27 =	vsel vm4, s0, v27;
	s16 =	sadd.s32 s9, s13;
	s2 =	ssub.s32 s26, s24;
	s17 =	smul.u32 $0x92492493, s15  }
0x256: {  	v33 =	vsel vm2, s1, v33;
	v32 =	vsel vm2, s4, v32;
	v27 =	vsel vm5, s16, v27;
	s18 =	sadd.s32 s29, s2;
	s19 =	ssub.s32 s14, s30  }
0x257: {  	v26 =	vadd.s32 v47, v26;
	v48 =	vcombine.low v32, v33;
	v27 =	vsel vm6, s18, v27;
	s20 =	sadd.s32 s17, s19  }
0x258: {  	v22 =	vadd.s32 v49, v22;
	v50 =	vmul.u32 $0xFFFFFF90, v26;
	v27 =	vsel vm7, s20, v27  }
0x259: {  	v29 =	vadd.s32 v53, v55;
	v31 =	vperm.xlane v48, v4;
	v27 =	vperm.xlane v27, v6  }
0x25a: {  	v30 =	vsel vm10, v51, v45;
	v29 =	vor.u32 v34, v29;
	v33 =	vadd.s32 v21, v50  }
0x25b: {  	v54 =	vand.u32 $0xFFFFFF80, v30;
	vm10 =	vne.s32 v33, $0x0;
	v27 =	vsel vm8, v27, v31  }
0x25c: {  	vm11 =	vlt.s32 v33, $0x0;
	v52 =	vadd.s32 $0x70, v33;
	s21 =	sadd.s32 $0x6F, s10;
	s24 =	simm.s32 $0x880;
	v27 =	vadd.s32 v17, v27  }
0x25d: {  	s22 =	smulhi.u32 $0x92492493, s21;
	s23 =	sshra.s32 s21, $0x1F;
	[tilespmem:v25+s24+$0x0] =	vst.idx.msk vm9, v14;
	v14 =	vshll.u32 v22, $0x7;
	v53 =	vshrl.u32 v27, $0x1F;
	v27 =	vshra.s32 v27, $0x6  }
0x25e: {  	s25 =	ssub.s32 $0xFFFFFF91, s10;
	s2 =	smul.u32 $0x92492493, s23;
	[tilespmem:v15+s31+$0x0] =	vst.idx.msk $0xffff, v5;
	v14 =	vadd.s32 v54, v14;
	v15 =	vand.u32 $0x7F, v30;
	v27 =	vadd.s32 v53, v27  }
0x25f: {  	s1 =	sadd.s32 s25, s22;
	v31 =	vsel vm11, v52, v33;
	vm11 =	vlt.s32 v21, $0x1;
	v55 =	vmul.u32 $0xFFFFFF90, v27  }
0x260: {  	v24 =	vor.u32 v35, v24;
	[tilespmem:v23+s24+$0x0] =	vst.idx.msk $0xffff, v7;
	s1 =	sadd.s32 s2, s1;
	v14 =	vor.u32 v15, v14;
	vm9 =	vmand vm11, vm10  }
0x261: {  	[tilespmem:v16+s31+$0x0] =	vst.idx.msk $0xffff, v8;
	s1 =	sadd.s32 s21, s1;
	v58 =	vand.u32 $0xFFFFFF80, v31;
	v56 =	vsel vm9, $0xFFFFFFFF, v3;
	v22 =	vadd.s32 v17, v55  }
0x262: {  	[tilespmem:v29+s24+$0x0] =	vst.idx.msk $0xffff, v7;
	s26 =	sshrl.u32 s1, $0x1F;
	s1 =	sshra.s32 s1, $0x6;
	vm9 =	vlt.s32 v17, $0x1;
	v57 =	vadd.s32 v56, v26;
	vm10 =	vne.s32 v22, $0x0  }
0x263: {  	[tilespmem:v18+s31+$0x0] =	vst.idx.msk $0xffff, v9;
	s1 =	sadd.s32 s26, s1;
	v62 =	vand.u32 $0x7F, v31;
	v59 =	vshll.u32 v57, $0x7;
	vm9 =	vmand vm9, vm10  }
0x264: {  	[tilespmem:v28+s24+$0x0] =	vst.idx.msk $0xffff, v7;
	s2 =	smul.u32 $0xFFFFFF90, s1;
	v61 =	vadd.s32 $0x70, v22;
	v60 =	vsel vm9, $0xFFFFFFFF, v3;
	vm9 =	vlt.s32 v22, $0x0  }
0x265: {  	v15 =	vadd.s32 v58, v59;
	v16 =	vadd.s32 v60, v27;
	v18 =	vsel vm9, v61, v22  }
0x266: {  	p0 =	slt.s32 s21, $0x1;
	[tilespmem:v19+s31+$0x0] =	vst.idx.msk $0xffff, v10;
	p1 =	sne.s32 s2, s25;
	v15 =	vor.u32 v62, v15;
	v63 =	vand.u32 $0xFFFFFF80, v18;
	v16 =	vshll.u32 v16, $0x7  }
0x267: {  	[tilespmem:v24+s24+$0x0] =	vst.idx.msk $0xffff, v7;
	p0 =	por !p0, !p1;
	v18 =	vand.u32 $0x7F, v18;
	v16 =	vadd.s32 v63, v16  }
0x268: {  	s0 =	simm.s32 $0x1;
	[tilespmem:v20+s31+$0x0] =	vst.idx.msk $0xffff, v11;
	p0 =	por !p0, !p0;
	v16 =	vor.u32 v18, v16  }
0x269: {  	[tilespmem:v14+s24+$0x0] =	vst.idx.msk $0xffff, v7;
	s0 =	simm.s32 @!p0 $0x0  }
0x26a: {  	[tilespmem:v21+s31+$0x0] =	vst.idx.msk $0xffff, v12;
	s1 =	ssub.s32 s1, s0  }
0x26b: {  	p0 =	slt.s32 s1, $0x1;
	[tilespmem:v15+s24+$0x0] =	vst.idx.msk $0xffff, v7  }
0x26c: {  	s13 =	rddreg [dreg:$0x0];
	s28 =	sadd.s32 $0x1, s1;
	s0 =	simm.s32 @!p0 $0x70;
	[tilespmem:v17+s31+$0x0] =	vst.idx.msk $0xffff, v13  }
0x26d: {  	s2 =	simm.s32 @!p0 $0x0;
	s3 =	simm.s32 @!p0 $0x4480;
	p1 =	seq.s32 @!p0 s1, $0x1;
	[tilespmem:v16+s24+$0x0] =	vst.idx.msk $0xffff, v7  }
0x26e: {  	[tilespmem:s3], [sflag:$0x1] =	stream.indirect.gather @!p0 [hbm4b:s13+s0], $0x80, s2, s0, $0xb8;
	[tilespmem:$0x1FC80] =	vst v63  }
0x26f: {  	p5 =	slt.s32 s1, $0x0;
	s29 =	sand.u32 $0x1, s28;
	p0 =	por p1, p0  }
0x270: {  	p6 =	seq.s32 s29, $0x1;
	s0 =	simm.s32 @!p0 $0x70;
	s2 =	simm.s32 @!p0 $0x7C80  }
0x271: {  	[tilespmem:s2], [sflag:$0x2] =	stream.indirect.gather @!p0 [hbm4b:s13+s0], $0x80, s0, s0, $0xb8;
	[tilespmem:$0x1FC80] =	vst v63  }
0x272: {  	s30 =	sshrl.u32 s28, $0x1F;
	p0 =	por !p5, !p6  }
0x273: {  	s0 =	sadd.s32 s30, s28;
	s2 =	simm.s32 $0x1;
	p0 =	por !p0, !p0  }
0x274: {  	s0 =	sshra.s32 s0, $0x1;
	s2 =	simm.s32 @!p0 $0x0  }
0x275: {  	s3 =	ssub.s32 s0, s2  }
0x276: {  	p0 =	slt.s32 s3, $0x1  }
.Ltmp7:
0x277: {  	_ = 	snop;
	(pc) =	sbr.rel @p0 .LBB2_6-.Ltmp7, $4  }
0x278: {  	_ = 	snop  }
0x279: {  	s15 =	rddreg [dreg:$0x7]  }
0x27a: {  	s14 =	rddreg [dreg:$0x6];
	s16 =	simm.s32 $0x1;
	s17 =	simm.s32 $0x70  }
0x27b: {  	s18 =	simm.s32 $0x4480;
	s19 =	simm.s32 $0xB480;
	s20 =	simm.s32 $0x4  }
0x27c: {  	_ =	swait.ge [sflag:s16], $0x3800  }
0x27d: {  	[sflag:s16] =	ssyncset.done $0x0  }
0x27e: {  	s0 =	simm.s32 $0x880;
	[sflag:s16] =	ssyncadd.s32 $0xFFFFC800  }
0x27f: {  	[spmem:s14] =	stream.indirect.scatter.add.f32 [tilespmem:s18], [sflag:$0x4], $0x80, s0, s17, $0xb8;
	[tilespmem:$0x1FC80] =	vst v63  }
0x280: {  	_ =	swait.ge [sflag:s20], $0x3800  }
0x281: {  	[sflag:s20] =	ssyncset.done $0x0  }
0x282: {  	[sflag:s20] =	ssyncadd.s32 $0xFFFFC800  }
0x283: {  	[spmem:s15] =	stream.indirect.scatter.add.f32 [tilespmem:s19], [sflag:$0x4], $0x1, s0, s17, $0xb8;
	[tilespmem:$0x1FC80] =	vst v63  }
0x284: {  	p1 =	sle.s32 s1, $0x2;
	p0 =	sle.s32 s1, $0x1;
	_ =	swait.ge [sflag:s20], $0x70  }
0x285: {  	s2 =	simm.s32 @!p1 $0x70;
	s4 =	simm.s32 @!p1 $0x4480;
	[sflag:s20] =	ssyncset.done $0x0  }
0x286: {  	s5 =	simm.s32 @!p0 $0x2;
	s0 =	simm.s32 $0xE0;
	[sflag:s20] =	ssyncadd.s32 $0xFFFFFF90  }
0x287: {  	[tilespmem:s4], [sflag:$0x1] =	stream.indirect.gather @!p1 [hbm4b:s13+s2], $0x80, s0, s2, $0xb8;
	[tilespmem:$0x1FC80] =	vst v63  }
0x288: {  	s3 =	sadd.s32 $0xFFFFFFFF, s3;
	_ =	swait.ge @!p0 [sflag:s5], $0x3800  }
0x289: {  	s7 =	simm.s32 @!p0 $0x70;
	s10 =	simm.s32 @!p0 $0x4;
	[sflag:s5] =	ssyncset.done @!p0 $0x0  }
0x28a: {  	s0 =	simm.s32 @!p0 $0x7C80;
	s2 =	simm.s32 @!p0 $0x900;
	[sflag:s5] =	ssyncadd.s32 @!p0 $0xFFFFC800  }
0x28b: {  	[spmem:s14] =	stream.indirect.scatter.add.f32 @!p0 [tilespmem:s0], [sflag:$0x4], $0x80, s2, s7, $0xb8;
	[tilespmem:$0x1FC80] =	vst v63  }
0x28c: {  	p1 =	seq.s32 s3, $0x0;
	_ =	swait.ge @!p0 [sflag:s10], $0x3800  }
.Ltmp8:
0x28d: {  	s6 =	simm.s32 $0x1C0;
	[sflag:s10] =	ssyncset.done @!p0 $0x0;
	(pc) =	sbr.rel @p1 .LBB2_12-.Ltmp8, $4  }
0x28e: {  	p2 =	sle.s32 s1, $0x3;
	s0 =	simm.s32 @!p0 $0xB480;
	[sflag:s10] =	ssyncadd.s32 @!p0 $0xFFFFC800  }
0x28f: {  	[spmem:s15] =	stream.indirect.scatter.add.f32 @!p0 [tilespmem:s0], [sflag:$0x4], $0x1, s2, s7, $0xb8;
	[tilespmem:$0x1FC80] =	vst v63  }
0x290: {  	s9 =	simm.s32 $0x980;
	s11 =	simm.s32 @!p2 $0x150;
	_ =	swait.ge @!p0 [sflag:s10], $0x70  }
0x291: {  	s12 =	simm.s32 @!p2 $0x7C80;
	s4 =	simm.s32 $0x3;
	[sflag:s10] =	ssyncset.done @!p0 $0x0  }
.LBB2_11:
0x292: {  	s3 =	sadd.s32 $0xFFFFFFFF, s3;
	[sflag:s10] =	ssyncadd.s32 @!p0 $0xFFFFFF90;
	s0 =	simm.s32 @!p2 $0x70  }
0x293: {  	[tilespmem:s12], [sflag:$0x2] =	stream.indirect.gather @!p2 [hbm4b:s13+s0], $0x80, s11, s0, $0xb8;
	[tilespmem:$0x1FC80] =	vst v63  }
0x294: {  	p1 =	seq.s32 s3, $0x0;
	s0 =	smov.u32 s6;
	_ =	swait.ge [sflag:s16], $0x3800  }
0x295: {  	[sflag:s16] =	ssyncset.done $0x0  }
0x296: {  	[sflag:s16] =	ssyncadd.s32 $0xFFFFC800  }
0x297: {  	[spmem:s14] =	stream.indirect.scatter.add.f32 [tilespmem:s18], [sflag:$0x4], $0x80, s9, s17, $0xb8;
	[tilespmem:$0x1FC80] =	vst v63  }
0x298: {  	_ =	swait.ge [sflag:s20], $0x3800  }
0x299: {  	[sflag:s20] =	ssyncset.done $0x0  }
0x29a: {  	s2 =	sadd.s32 $0x1, s4;
	[sflag:s20] =	ssyncadd.s32 $0xFFFFC800  }
0x29b: {  	[spmem:s15] =	stream.indirect.scatter.add.f32 [tilespmem:s19], [sflag:$0x4], $0x1, s9, s17, $0xb8;
	[tilespmem:$0x1FC80] =	vst v63  }
0x29c: {  	p0 =	sge.s32 s4, s1;
	p2 =	sge.s32 s2, s1;
	_ =	swait.ge [sflag:s20], $0x70  }
0x29d: {  	s2 =	simm.s32 @!p2 $0x70;
	s5 =	simm.s32 @!p2 $0x4480;
	[sflag:s20] =	ssyncset.done $0x0  }
0x29e: {  	s7 =	simm.s32 @!p0 $0x2;
	[sflag:s20] =	ssyncadd.s32 $0xFFFFFF90  }
0x29f: {  	[tilespmem:s5], [sflag:$0x1] =	stream.indirect.gather @!p2 [hbm4b:s13+s2], $0x80, s6, s2, $0xb8;
	[tilespmem:$0x1FC80] =	vst v63  }
0x2a0: {  	s2 =	simm.s32 @!p0 $0x7C80;
	_ =	swait.ge @!p0 [sflag:s7], $0x3800  }
0x2a1: {  	s8 =	simm.s32 @!p0 $0x70;
	s5 =	sadd.s32 @!p0 $0x80, s9;
	[sflag:s7] =	ssyncset.done @!p0 $0x0  }
0x2a2: {  	s10 =	simm.s32 @!p0 $0x4;
	[sflag:s7] =	ssyncadd.s32 @!p0 $0xFFFFC800  }
0x2a3: {  	[spmem:s14] =	stream.indirect.scatter.add.f32 @!p0 [tilespmem:s2], [sflag:$0x4], $0x80, s5, s8, $0xb8;
	[tilespmem:$0x1FC80] =	vst v63  }
0x2a4: {  	_ =	swait.ge @!p0 [sflag:s10], $0x3800  }
.Ltmp9:
0x2a5: {  	s2 =	simm.s32 @!p0 $0xB480;
	[sflag:s10] =	ssyncset.done @!p0 $0x0;
	(pc) =	sbr.rel @!p1 .LBB2_11-.Ltmp9, $4  }
0x2a6: {  	s4 =	sadd.s32 $0x2, s4;
	s6 =	sadd.s32 $0xE0, s6;
	[sflag:s10] =	ssyncadd.s32 @!p0 $0xFFFFC800  }
0x2a7: {  	[spmem:s15] =	stream.indirect.scatter.add.f32 @!p0 [tilespmem:s2], [sflag:$0x4], $0x1, s5, s8, $0xb8;
	[tilespmem:$0x1FC80] =	vst v63  }
0x2a8: {  	p2 =	sge.s32 s4, s1;
	s9 =	sadd.s32 $0x100, s9;
	_ =	swait.ge @!p0 [sflag:s10], $0x70  }
0x2a9: {  	s11 =	sadd.s32 @!p2 $0x70, s0;
	s12 =	simm.s32 @!p2 $0x7C80;
	[sflag:s10] =	ssyncset.done @!p0 $0x0  }
.Ltmp10:
0x2aa: {  	_ = 	snop;
	(pc) =	sbr.rel .LBB2_12-.Ltmp10, $1  }
0x2ab: {  	_ =	sdelay $0x3  }
.LBB2_14:
0x2ac: {  	_ =	sfence.sel $0x180000  }
0x2ad: {  	[bflag:$0x0] =	sbarrier.arrive $0xFFFF  }
0x2ae: {  	_ =	strace $0x90000047  }
0x2af: {  	s0 =	stileid.u32;
	[bflag:$0x2] =	sbarrier.arrive $0xFFFF  }
0x2b0: {  	p0 =	sne.s32 s0, $0x0;
	s0 =	rddreg [dreg:$0x8]  }
0x2b1: {  	s0 =	sadd.s32 @!p0 $0x100000, s0  }
0x2b2: {  	[sflag:s0] =	ssyncadd.tile.s32 @!p0 $0x1;
	_ =	shalt  }
.Lfunc_end2:
_tile_overlayer_lowered:
.L_overlay_start_2:
0x2b3: {  	(tag) =	ssettag $0x2  }
0x2b4: {  	s0 =	rddreg [dreg:$0x0];
	s2 =	stileid.u32  }
0x2b5: {  	s1 =	rddreg [dreg:$0x1];
	p0 =	sne.s32 s2, $0x0  }
0x2b6: {  	s3 =	rddreg [dreg:$0x2];
	[bflag:$0x3] =	sbarrier.arrive $0xFFFF;
	s2 =	simm.s32 @!p0 $0x1C04  }
0x2b7: {  	[timem:s3], [sflag:s2] =	dma.local @!p0 [hbm:s0], s1  }
0x2b8: {  	s0 =	simm.s32 @!p0 $0x4  }
0x2b9: {  	_ =	swait.ge @!p0 [sflag:s0], s1  }
0x2ba: {  	s1 =	ssub.s32 @!p0 $0x0, s1;
	[sflag:s0] =	ssyncset.done @!p0 $0x0  }
0x2bb: {  	[sflag:s0] =	ssyncadd.s32 @!p0 s1  }
0x2bc: {  	[bflag:$0x3] =	sbarrier.arrive $0xFFFF  }
0x2bd: {  	_ =	shalt  }

</sc_bundles>
